<compile_context>
chip_gen: v7x
topology: tpu7x:2x2x1
jax: 0.10.2.dev20260603
libtpu: 0.0.44.dev20260713+nightly
codegen_flags: <defaults>
</compile_context>

<pallas_src>
import functools

import jax
import jax.numpy as jnp
from jax import lax
from jax.experimental import pallas as pl
from jax.experimental.pallas import tpu as pltpu
from jax.experimental.pallas import tpu_sc as plsc

_NC = 2
_NS = 16
_NW = _NC * _NS
_CHUNK = 80


def _make_propagate(n, d, n_chunks):
    mesh = plsc.VectorSubcoreMesh(core_axis_name="c", subcore_axis_name="s")
    rows_main = (n // _NS) // 8 * 8
    rem = n - rows_main * _NS

    @functools.partial(
        pl.kernel,
        out_type=jax.ShapeDtypeStruct((_NC, n, d), jnp.float32),
        mesh=mesh,
        compiler_params=pltpu.CompilerParams(use_tc_tiling_on_sc=False),
        scratch_types=[
            pltpu.VMEM((n_chunks, _CHUNK), jnp.int32),
            pltpu.VMEM((n_chunks, _CHUNK), jnp.int32),
            pltpu.VMEM((_CHUNK, d), jnp.float32),
            pltpu.VMEM_SHARED((n, d), jnp.float32),
        ],
    )
    def prop(xs_hbm, src_hbm, dst_hbm, out_hbm, sidx, didx, rows, acc):
        c = lax.axis_index("c")
        s = lax.axis_index("s")
        wid = c * _NS + s
        base = s * rows_main

        pltpu.sync_copy(xs_hbm.at[pl.ds(base, rows_main)],
                        acc.at[pl.ds(base, rows_main)])
        if rem:
            @pl.when(s == _NS - 1)
            def _():
                pltpu.sync_copy(xs_hbm.at[pl.ds(_NS * rows_main, rem)],
                                acc.at[pl.ds(_NS * rows_main, rem)])

        pltpu.sync_copy(src_hbm.at[wid], sidx)
        pltpu.sync_copy(dst_hbm.at[wid], didx)
        plsc.subcore_barrier()

        def body(k, carry):
            pltpu.sync_copy(xs_hbm.at[sidx.at[k]], rows)
            pltpu.sync_copy(rows, acc.at[didx.at[k]], add=True)
            return carry

        lax.fori_loop(0, n_chunks, body, 0)
        plsc.subcore_barrier()

        pltpu.sync_copy(acc.at[pl.ds(base, rows_main)],
                        out_hbm.at[c, pl.ds(base, rows_main)])
        if rem:
            @pl.when(s == _NS - 1)
            def _():
                pltpu.sync_copy(acc.at[pl.ds(_NS * rows_main, rem)],
                                out_hbm.at[c, pl.ds(_NS * rows_main, rem)])

    return prop


def _tc_prep(x, w1, degs, blk=1000):
    n, din = x.shape
    h = w1.shape[1]
    dw = degs.shape[2]

    def body(x_ref, w1_ref, degs_ref, xs_ref, dis_ref):
        deg = degs_ref[0, :, 0:1] + degs_ref[1, :, 0:1] - 1.0
        dis = lax.rsqrt(deg)
        xw = lax.dot_general(x_ref[...], w1_ref[...], (((1,), (0,)), ((), ())),
                             preferred_element_type=jnp.float32)
        xs_ref[...] = xw * dis
        dis_ref[...] = dis

    return pl.pallas_call(
        body,
        grid=(n // blk,),
        in_specs=[
            pl.BlockSpec((blk, din), lambda i: (i, 0)),
            pl.BlockSpec((din, h), lambda i: (0, 0)),
            pl.BlockSpec((_NC, blk, dw), lambda i: (0, i, 0)),
        ],
        out_specs=[
            pl.BlockSpec((blk, h), lambda i: (i, 0)),
            pl.BlockSpec((blk, 1), lambda i: (i, 0)),
        ],
        out_shape=[
            jax.ShapeDtypeStruct((n, h), jnp.float32),
            jax.ShapeDtypeStruct((n, 1), jnp.float32),
        ],
    )(x, w1, degs)


def _tc_mid(accs, xs, dis, b1r, w2p, blk=1000):
    n, h = xs.shape
    d2 = w2p.shape[1]

    def body(a_ref, xs_ref, dis_ref, b1_ref, w2_ref, hs_ref):
        ssum = a_ref[0] + a_ref[1] - xs_ref[...]
        hval = jnp.maximum(ssum * dis_ref[...] + b1_ref[...], 0.0)
        h2 = lax.dot_general(hval, w2_ref[...], (((1,), (0,)), ((), ())),
                             preferred_element_type=jnp.float32)
        hs_ref[...] = h2 * dis_ref[...]

    return pl.pallas_call(
        body,
        grid=(n // blk,),
        in_specs=[
            pl.BlockSpec((_NC, blk, h), lambda i: (0, i, 0)),
            pl.BlockSpec((blk, h), lambda i: (i, 0)),
            pl.BlockSpec((blk, 1), lambda i: (i, 0)),
            pl.BlockSpec((1, h), lambda i: (0, 0)),
            pl.BlockSpec((h, d2), lambda i: (0, 0)),
        ],
        out_specs=pl.BlockSpec((blk, d2), lambda i: (i, 0)),
        out_shape=jax.ShapeDtypeStruct((n, d2), jnp.float32),
    )(accs, xs, dis, b1r, w2p)


def _tc_final(accs2, hs, dis, b2p, blk=1000):
    n, d2 = hs.shape

    def body(a_ref, hs_ref, dis_ref, b2_ref, out_ref):
        ssum = a_ref[0] + a_ref[1] - hs_ref[...]
        out_ref[...] = ssum * dis_ref[...] + b2_ref[...]

    return pl.pallas_call(
        body,
        grid=(n // blk,),
        in_specs=[
            pl.BlockSpec((_NC, blk, d2), lambda i: (0, i, 0)),
            pl.BlockSpec((blk, d2), lambda i: (i, 0)),
            pl.BlockSpec((blk, 1), lambda i: (i, 0)),
            pl.BlockSpec((1, d2), lambda i: (0, 0)),
        ],
        out_specs=pl.BlockSpec((blk, d2), lambda i: (i, 0)),
        out_shape=jax.ShapeDtypeStruct((n, d2), jnp.float32),
    )(accs2, hs, dis, b2p)


def kernel(x, edge_index, W1, b1, W2, b2):
    n, din = x.shape
    h = W1.shape[1]
    out_w = W2.shape[1]
    e = edge_index.shape[1]

    src = edge_index[0].astype(jnp.int32)
    dst = edge_index[1].astype(jnp.int32)
    n_chunks = e // (_NW * _CHUNK)
    src3 = src.reshape(_NW, n_chunks, _CHUNK)
    dst3 = dst.reshape(_NW, n_chunks, _CHUNK)

    dpad = 16
    ones16 = jnp.ones((n, dpad), jnp.float32)
    w2p = jnp.pad(W2, ((0, 0), (0, dpad - out_w)))
    b2p = jnp.pad(b2, (0, dpad - out_w)).reshape(1, dpad)
    b1r = b1.reshape(1, h)

    prop16 = _make_propagate(n, dpad, n_chunks)
    prop_h = _make_propagate(n, h, n_chunks)

    degs = prop16(ones16, src3, dst3)
    xs, dis = _tc_prep(x, W1, degs)
    accs = prop_h(xs, src3, dst3)
    hs = _tc_mid(accs, xs, dis, b1r, w2p)
    accs2 = prop16(hs, src3, dst3)
    out16 = _tc_final(accs2, hs, dis, b2p)
    return out16[:, :out_w]

# --- scband reference (transcript-rebuilt; emitter-appended) ---
"""Pipeline reference for scband-gcn-12180527252117 (READ-ONLY COPY).

The authoritative reference and input builder live on the scoring server;
editing this copy changes nothing except your own understanding.
"""

import jax, jax.numpy as jnp
import numpy as np

N = 10000
E = 320000
D = 128
H = 128
OUT = 2


def gcn_conv(x, edge_index, W, b):
    num_nodes = x.shape[0]
    src = edge_index[0]
    dst = edge_index[1]
    # add self-loops (PyG GCNConv default: add_self_loops=True)
    loop = jnp.arange(num_nodes, dtype=src.dtype)
    src = jnp.concatenate([src, loop])
    dst = jnp.concatenate([dst, loop])
    # symmetric normalization D^{-1/2} (A+I) D^{-1/2}
    deg = jnp.zeros((num_nodes,), dtype=jnp.float32).at[dst].add(1.0)
    deg_inv_sqrt = jnp.where(deg > 0, jax.lax.rsqrt(jnp.maximum(deg, 1e-12)), 0.0)
    norm = deg_inv_sqrt[src] * deg_inv_sqrt[dst]
    # linear transform then propagate: gather messages from src, scatter-add to dst
    xw = x @ W
    msg = jnp.take(xw, src, axis=0) * norm[:, None]
    out = jnp.zeros((num_nodes, W.shape[1]), dtype=jnp.float32).at[dst].add(msg)
    return out + b


def setup_inputs(seed: int = 0):
    key = jax.random.key(seed)
    k1, k2, k3, k4 = jax.random.split(key, 4)
    x = jax.random.normal(k1, (N, D), dtype=jnp.float32)
    edge_index = jax.random.randint(k2, (2, E), 0, N)
    W1 = jax.random.normal(k3, (D, H), dtype=jnp.float32) * (1.0 / np.sqrt(D))
    b1 = jnp.zeros((H,), dtype=jnp.float32)
    W2 = jax.random.normal(k4, (H, OUT), dtype=jnp.float32) * (1.0 / np.sqrt(H))
    b2 = jnp.zeros((OUT,), dtype=jnp.float32)
    return {"x": x, "edge_index": edge_index, "W1": W1, "b1": b1, "W2": W2, "b2": b2}


def reference(x, edge_index, W1, b1, W2, b2):
    h = gcn_conv(x, edge_index, W1, b1)
    h = jax.nn.relu(h)
    out = gcn_conv(h, edge_index, W2, b2)
    return out

if __name__ == "__main__":
    import jax
    _d = setup_inputs()
    print(jax.jit(kernel)(*tuple(_d.values())))

</pallas_src>

<mosaic_0001>
#map = affine_map<(d0, d1) -> (0, 0)>
#map1 = affine_map<(d0, d1) -> (0, 0, 0)>
module attributes {stable_mosaic.version = 14 : i64} {
  func.func @prop(%arg0: i32, %arg1: i32, %arg2: memref<10000x16xf32, #tpu.memory_space<hbm>>, %arg3: memref<32x125x80xi32, #tpu.memory_space<hbm>>, %arg4: memref<32x125x80xi32, #tpu.memory_space<hbm>>, %arg5: memref<2x10000x16xf32, #tpu.memory_space<hbm>>, %arg6: memref<125x80xi32, #tpu.memory_space<vmem>>, %arg7: memref<125x80xi32, #tpu.memory_space<vmem>>, %arg8: memref<80x16xf32, #tpu.memory_space<vmem>>, %arg9: memref<10000x16xf32, #tpu.memory_space<vmem_shared>>) attributes {dimension_semantics = [#tpu.dimension_semantics<core_parallel>, #tpu.dimension_semantics<subcore_parallel>], iteration_bounds = array<i64: 2, 16>, scalar_prefetch = 0 : i64, scratch_operands = 4 : i64, tpu.core_type = #tpu.core_type<sc_vector_subcore>, window_params = [{transform_indices = #map}, {transform_indices = #map1}, {transform_indices = #map1}, {transform_indices = #map1}]} {
    %mul3A = arith.constant 16 : i32
    %mul3A_0 = arith.muli %arg0, %mul3A : i32
    %add3A = arith.addi %mul3A_0, %arg1 : i32
    %mul3A_1 = arith.constant 624 : i32
    %mul3A_2 = arith.muli %arg1, %mul3A_1 : i32
    "tpu.region"() ({
      %run_scoped3A = tpu.sem_alloc : memref<!tpu.dma_semaphore, #tpu.memory_space<semaphore_mem>>
      %dma_start3A = arith.constant 0 : i32
      %dma_start3A_16 = tpu.memref_slice %arg9[%mul3A_2, %dma_start3A] : memref<10000x16xf32, #tpu.memory_space<vmem_shared>> -> memref<624x16xf32, #tpu.memory_space<vmem_shared>>
      %dma_start3A_17 = arith.constant 0 : i32
      %dma_start3A_18 = tpu.memref_slice %arg2[%mul3A_2, %dma_start3A_17] : memref<10000x16xf32, #tpu.memory_space<hbm>> -> memref<624x16xf32, #tpu.memory_space<hbm>>
      tpu.enqueue_dma source(%dma_start3A_18 : memref<624x16xf32, #tpu.memory_space<hbm>>) target(%dma_start3A_16 : memref<624x16xf32, #tpu.memory_space<vmem_shared>>) target_semaphore(%run_scoped3A : memref<!tpu.dma_semaphore, #tpu.memory_space<semaphore_mem>>)
      %dma_wait3A = arith.constant 0 : i32
      %dma_wait3A_19 = tpu.memref_slice %arg9[%mul3A_2, %dma_wait3A] : memref<10000x16xf32, #tpu.memory_space<vmem_shared>> -> memref<624x16xf32, #tpu.memory_space<vmem_shared>>
      %dma_wait3A_20 = arith.constant 0 : i32
      %dma_wait3A_21 = tpu.memref_slice %arg2[%mul3A_2, %dma_wait3A_20] : memref<10000x16xf32, #tpu.memory_space<hbm>> -> memref<624x16xf32, #tpu.memory_space<hbm>>
      tpu.wait_dma2 semaphore(%run_scoped3A : memref<!tpu.dma_semaphore, #tpu.memory_space<semaphore_mem>>) src(%dma_wait3A_21 : memref<624x16xf32, #tpu.memory_space<hbm>>) dst(%dma_wait3A_19 : memref<624x16xf32, #tpu.memory_space<vmem_shared>>)
      tpu.yield
    }) : () -> ()
    %eq3A = arith.constant 15 : i32
    %eq3A_3 = arith.cmpi eq, %arg1, %eq3A : i32
    %convert_element_type3A = arith.extui %eq3A_3 : i1 to i32
    %cond3A = arith.constant 0 : i32
    %cond3A_4 = arith.cmpi ne, %convert_element_type3A, %cond3A : i32
    scf.if %cond3A_4 {
      "tpu.region"() ({
        %run_scoped3A = tpu.sem_alloc : memref<!tpu.dma_semaphore, #tpu.memory_space<semaphore_mem>>
        %dma_start3A = arith.constant 9984 : i32
        %dma_start3A_16 = arith.constant 0 : i32
        %dma_start3A_17 = tpu.memref_slice %arg9[%dma_start3A, %dma_start3A_16] : memref<10000x16xf32, #tpu.memory_space<vmem_shared>> -> memref<16x16xf32, #tpu.memory_space<vmem_shared>>
        %dma_start3A_18 = arith.constant 9984 : i32
        %dma_start3A_19 = arith.constant 0 : i32
        %dma_start3A_20 = tpu.memref_slice %arg2[%dma_start3A_18, %dma_start3A_19] : memref<10000x16xf32, #tpu.memory_space<hbm>> -> memref<16x16xf32, #tpu.memory_space<hbm>>
        tpu.enqueue_dma source(%dma_start3A_20 : memref<16x16xf32, #tpu.memory_space<hbm>>) target(%dma_start3A_17 : memref<16x16xf32, #tpu.memory_space<vmem_shared>>) target_semaphore(%run_scoped3A : memref<!tpu.dma_semaphore, #tpu.memory_space<semaphore_mem>>)
        %dma_wait3A = arith.constant 9984 : i32
        %dma_wait3A_21 = arith.constant 0 : i32
        %dma_wait3A_22 = tpu.memref_slice %arg9[%dma_wait3A, %dma_wait3A_21] : memref<10000x16xf32, #tpu.memory_space<vmem_shared>> -> memref<16x16xf32, #tpu.memory_space<vmem_shared>>
        %dma_wait3A_23 = arith.constant 9984 : i32
        %dma_wait3A_24 = arith.constant 0 : i32
        %dma_wait3A_25 = tpu.memref_slice %arg2[%dma_wait3A_23, %dma_wait3A_24] : memref<10000x16xf32, #tpu.memory_space<hbm>> -> memref<16x16xf32, #tpu.memory_space<hbm>>
        tpu.wait_dma2 semaphore(%run_scoped3A : memref<!tpu.dma_semaphore, #tpu.memory_space<semaphore_mem>>) src(%dma_wait3A_25 : memref<16x16xf32, #tpu.memory_space<hbm>>) dst(%dma_wait3A_22 : memref<16x16xf32, #tpu.memory_space<vmem_shared>>)
        tpu.yield
      }) : () -> ()
    } else {
    }
    "tpu.region"() ({
      %run_scoped3A = tpu.sem_alloc : memref<!tpu.dma_semaphore, #tpu.memory_space<semaphore_mem>>
      %dma_start3A = arith.constant 0 : i32
      %dma_start3A_16 = arith.constant 0 : i32
      %dma_start3A_17 = tpu.memref_slice %arg3[%add3A, %dma_start3A, %dma_start3A_16] : memref<32x125x80xi32, #tpu.memory_space<hbm>> -> memref<1x125x80xi32, #tpu.memory_space<hbm>>
      %dma_start3A_18 = tpu.memref_squeeze %dma_start3A_17 : memref<1x125x80xi32, #tpu.memory_space<hbm>> -> memref<125x80xi32, #tpu.memory_space<hbm>>
      %dma_start3A_19 = arith.constant 0 : i32
      %dma_start3A_20 = arith.constant 0 : i32
      %dma_start3A_21 = tpu.memref_slice %arg3[%add3A, %dma_start3A_19, %dma_start3A_20] : memref<32x125x80xi32, #tpu.memory_space<hbm>> -> memref<1x125x80xi32, #tpu.memory_space<hbm>>
      %dma_start3A_22 = tpu.memref_squeeze %dma_start3A_21 : memref<1x125x80xi32, #tpu.memory_space<hbm>> -> memref<125x80xi32, #tpu.memory_space<hbm>>
      tpu.enqueue_dma source(%dma_start3A_22 : memref<125x80xi32, #tpu.memory_space<hbm>>) target(%arg6 : memref<125x80xi32, #tpu.memory_space<vmem>>) target_semaphore(%run_scoped3A : memref<!tpu.dma_semaphore, #tpu.memory_space<semaphore_mem>>)
      %dma_wait3A = arith.constant 0 : i32
      %dma_wait3A_23 = arith.constant 0 : i32
      %dma_wait3A_24 = tpu.memref_slice %arg3[%add3A, %dma_wait3A, %dma_wait3A_23] : memref<32x125x80xi32, #tpu.memory_space<hbm>> -> memref<1x125x80xi32, #tpu.memory_space<hbm>>
      %dma_wait3A_25 = tpu.memref_squeeze %dma_wait3A_24 : memref<1x125x80xi32, #tpu.memory_space<hbm>> -> memref<125x80xi32, #tpu.memory_space<hbm>>
      %dma_wait3A_26 = arith.constant 0 : i32
      %dma_wait3A_27 = arith.constant 0 : i32
      %dma_wait3A_28 = tpu.memref_slice %arg3[%add3A, %dma_wait3A_26, %dma_wait3A_27] : memref<32x125x80xi32, #tpu.memory_space<hbm>> -> memref<1x125x80xi32, #tpu.memory_space<hbm>>
      %dma_wait3A_29 = tpu.memref_squeeze %dma_wait3A_28 : memref<1x125x80xi32, #tpu.memory_space<hbm>> -> memref<125x80xi32, #tpu.memory_space<hbm>>
      tpu.wait_dma2 semaphore(%run_scoped3A : memref<!tpu.dma_semaphore, #tpu.memory_space<semaphore_mem>>) src(%dma_wait3A_29 : memref<125x80xi32, #tpu.memory_space<hbm>>) dst(%arg6 : memref<125x80xi32, #tpu.memory_space<vmem>>)
      tpu.yield
    }) : () -> ()
    "tpu.region"() ({
      %run_scoped3A = tpu.sem_alloc : memref<!tpu.dma_semaphore, #tpu.memory_space<semaphore_mem>>
      %dma_start3A = arith.constant 0 : i32
      %dma_start3A_16 = arith.constant 0 : i32
      %dma_start3A_17 = tpu.memref_slice %arg4[%add3A, %dma_start3A, %dma_start3A_16] : memref<32x125x80xi32, #tpu.memory_space<hbm>> -> memref<1x125x80xi32, #tpu.memory_space<hbm>>
      %dma_start3A_18 = tpu.memref_squeeze %dma_start3A_17 : memref<1x125x80xi32, #tpu.memory_space<hbm>> -> memref<125x80xi32, #tpu.memory_space<hbm>>
      %dma_start3A_19 = arith.constant 0 : i32
      %dma_start3A_20 = arith.constant 0 : i32
      %dma_start3A_21 = tpu.memref_slice %arg4[%add3A, %dma_start3A_19, %dma_start3A_20] : memref<32x125x80xi32, #tpu.memory_space<hbm>> -> memref<1x125x80xi32, #tpu.memory_space<hbm>>
      %dma_start3A_22 = tpu.memref_squeeze %dma_start3A_21 : memref<1x125x80xi32, #tpu.memory_space<hbm>> -> memref<125x80xi32, #tpu.memory_space<hbm>>
      tpu.enqueue_dma source(%dma_start3A_22 : memref<125x80xi32, #tpu.memory_space<hbm>>) target(%arg7 : memref<125x80xi32, #tpu.memory_space<vmem>>) target_semaphore(%run_scoped3A : memref<!tpu.dma_semaphore, #tpu.memory_space<semaphore_mem>>)
      %dma_wait3A = arith.constant 0 : i32
      %dma_wait3A_23 = arith.constant 0 : i32
      %dma_wait3A_24 = tpu.memref_slice %arg4[%add3A, %dma_wait3A, %dma_wait3A_23] : memref<32x125x80xi32, #tpu.memory_space<hbm>> -> memref<1x125x80xi32, #tpu.memory_space<hbm>>
      %dma_wait3A_25 = tpu.memref_squeeze %dma_wait3A_24 : memref<1x125x80xi32, #tpu.memory_space<hbm>> -> memref<125x80xi32, #tpu.memory_space<hbm>>
      %dma_wait3A_26 = arith.constant 0 : i32
      %dma_wait3A_27 = arith.constant 0 : i32
      %dma_wait3A_28 = tpu.memref_slice %arg4[%add3A, %dma_wait3A_26, %dma_wait3A_27] : memref<32x125x80xi32, #tpu.memory_space<hbm>> -> memref<1x125x80xi32, #tpu.memory_space<hbm>>
      %dma_wait3A_29 = tpu.memref_squeeze %dma_wait3A_28 : memref<1x125x80xi32, #tpu.memory_space<hbm>> -> memref<125x80xi32, #tpu.memory_space<hbm>>
      tpu.wait_dma2 semaphore(%run_scoped3A : memref<!tpu.dma_semaphore, #tpu.memory_space<semaphore_mem>>) src(%dma_wait3A_29 : memref<125x80xi32, #tpu.memory_space<hbm>>) dst(%arg7 : memref<125x80xi32, #tpu.memory_space<vmem>>)
      tpu.yield
    }) : () -> ()
    %barrier3A = arith.constant 0 : index
    tpu.barrier barrier_id(%barrier3A)
    %scan3A = arith.constant 0 : i32
    %scan3A_5 = arith.constant 0 : i32
    %scan3A_6 = arith.constant 125 : i32
    %scan3A_7 = arith.addi %scan3A_5, %scan3A_6 : i32
    %scan3A_8 = arith.constant 1 : i32
    scf.for %scan3A_16 = %scan3A_5 to %scan3A_7 step %scan3A_8  : i32 {
      "tpu.region"() ({
        %run_scoped3A = tpu.sem_alloc : memref<!tpu.dma_semaphore, #tpu.memory_space<semaphore_mem>>
        %dma_start3A = arith.constant 0 : i32
        %dma_start3A_17 = tpu.memref_slice %arg6[%scan3A_16, %dma_start3A] : memref<125x80xi32, #tpu.memory_space<vmem>> -> memref<1x80xi32, #tpu.memory_space<vmem>>
        %dma_start3A_18 = tpu.memref_squeeze %dma_start3A_17 : memref<1x80xi32, #tpu.memory_space<vmem>> -> memref<80xi32, #tpu.memory_space<vmem>>
        %dma_start3A_19 = arith.constant 0 : i32
        %dma_start3A_20 = arith.constant 0 : i32
        %dma_start3A_21 = tpu.memref_slice %arg2[%dma_start3A_19, %dma_start3A_20] : memref<10000x16xf32, #tpu.memory_space<hbm>> -> memref<10000x16xf32, #tpu.memory_space<hbm>>
        tpu.enqueue_indirect_dma source(%dma_start3A_21 : memref<10000x16xf32, #tpu.memory_space<hbm>>) target(%arg8 : memref<80x16xf32, #tpu.memory_space<vmem>>) offsets(%dma_start3A_18 : memref<80xi32, #tpu.memory_space<vmem>>) semaphore(%run_scoped3A : memref<!tpu.dma_semaphore, #tpu.memory_space<semaphore_mem>>)
        %dma_wait3A = arith.constant 0 : i32
        %dma_wait3A_22 = tpu.memref_slice %arg6[%scan3A_16, %dma_wait3A] : memref<125x80xi32, #tpu.memory_space<vmem>> -> memref<1x80xi32, #tpu.memory_space<vmem>>
        %dma_wait3A_23 = tpu.memref_squeeze %dma_wait3A_22 : memref<1x80xi32, #tpu.memory_space<vmem>> -> memref<80xi32, #tpu.memory_space<vmem>>
        %dma_wait3A_24 = arith.constant 0 : i32
        %dma_wait3A_25 = arith.constant 0 : i32
        %dma_wait3A_26 = tpu.memref_slice %arg2[%dma_wait3A_24, %dma_wait3A_25] : memref<10000x16xf32, #tpu.memory_space<hbm>> -> memref<10000x16xf32, #tpu.memory_space<hbm>>
        tpu.wait_indirect_dma semaphore(%run_scoped3A : memref<!tpu.dma_semaphore, #tpu.memory_space<semaphore_mem>>) src(%dma_wait3A_26 : memref<10000x16xf32, #tpu.memory_space<hbm>>) dst(%arg8 : memref<80x16xf32, #tpu.memory_space<vmem>>)
        tpu.yield
      }) : () -> ()
      "tpu.region"() ({
        %run_scoped3A = tpu.sem_alloc : memref<!tpu.dma_semaphore, #tpu.memory_space<semaphore_mem>>
        %dma_start3A = arith.constant 0 : i32
        %dma_start3A_17 = tpu.memref_slice %arg7[%scan3A_16, %dma_start3A] : memref<125x80xi32, #tpu.memory_space<vmem>> -> memref<1x80xi32, #tpu.memory_space<vmem>>
        %dma_start3A_18 = tpu.memref_squeeze %dma_start3A_17 : memref<1x80xi32, #tpu.memory_space<vmem>> -> memref<80xi32, #tpu.memory_space<vmem>>
        %dma_start3A_19 = arith.constant 0 : i32
        %dma_start3A_20 = arith.constant 0 : i32
        %dma_start3A_21 = tpu.memref_slice %arg9[%dma_start3A_19, %dma_start3A_20] : memref<10000x16xf32, #tpu.memory_space<vmem_shared>> -> memref<10000x16xf32, #tpu.memory_space<vmem_shared>>
        tpu.enqueue_indirect_dma source(%arg8 : memref<80x16xf32, #tpu.memory_space<vmem>>) target(%dma_start3A_21 : memref<10000x16xf32, #tpu.memory_space<vmem_shared>>) offsets(%dma_start3A_18 : memref<80xi32, #tpu.memory_space<vmem>>) semaphore(%run_scoped3A : memref<!tpu.dma_semaphore, #tpu.memory_space<semaphore_mem>>) {add = true}
        %dma_wait3A = arith.constant 0 : i32
        %dma_wait3A_22 = tpu.memref_slice %arg7[%scan3A_16, %dma_wait3A] : memref<125x80xi32, #tpu.memory_space<vmem>> -> memref<1x80xi32, #tpu.memory_space<vmem>>
        %dma_wait3A_23 = tpu.memref_squeeze %dma_wait3A_22 : memref<1x80xi32, #tpu.memory_space<vmem>> -> memref<80xi32, #tpu.memory_space<vmem>>
        %dma_wait3A_24 = arith.constant 0 : i32
        %dma_wait3A_25 = arith.constant 0 : i32
        %dma_wait3A_26 = tpu.memref_slice %arg9[%dma_wait3A_24, %dma_wait3A_25] : memref<10000x16xf32, #tpu.memory_space<vmem_shared>> -> memref<10000x16xf32, #tpu.memory_space<vmem_shared>>
        tpu.wait_indirect_dma semaphore(%run_scoped3A : memref<!tpu.dma_semaphore, #tpu.memory_space<semaphore_mem>>) src(%arg8 : memref<80x16xf32, #tpu.memory_space<vmem>>) dst(%dma_wait3A_26 : memref<10000x16xf32, #tpu.memory_space<vmem_shared>>)
        tpu.yield
      }) : () -> ()
    }
    %scan3A_9 = arith.constant 125 : i32
    %barrier3A_10 = arith.constant 0 : index
    tpu.barrier barrier_id(%barrier3A_10)
    "tpu.region"() ({
      %run_scoped3A = tpu.sem_alloc : memref<!tpu.dma_semaphore, #tpu.memory_space<semaphore_mem>>
      %dma_start3A = arith.constant 0 : i32
      %dma_start3A_16 = tpu.memref_slice %arg5[%arg0, %mul3A_2, %dma_start3A] : memref<2x10000x16xf32, #tpu.memory_space<hbm>> -> memref<1x624x16xf32, #tpu.memory_space<hbm>>
      %dma_start3A_17 = tpu.memref_squeeze %dma_start3A_16 : memref<1x624x16xf32, #tpu.memory_space<hbm>> -> memref<624x16xf32, #tpu.memory_space<hbm>>
      %dma_start3A_18 = arith.constant 0 : i32
      %dma_start3A_19 = tpu.memref_slice %arg9[%mul3A_2, %dma_start3A_18] : memref<10000x16xf32, #tpu.memory_space<vmem_shared>> -> memref<624x16xf32, #tpu.memory_space<vmem_shared>>
      tpu.enqueue_dma source(%dma_start3A_19 : memref<624x16xf32, #tpu.memory_space<vmem_shared>>) target(%dma_start3A_17 : memref<624x16xf32, #tpu.memory_space<hbm>>) target_semaphore(%run_scoped3A : memref<!tpu.dma_semaphore, #tpu.memory_space<semaphore_mem>>)
      %dma_wait3A = arith.constant 0 : i32
      %dma_wait3A_20 = tpu.memref_slice %arg5[%arg0, %mul3A_2, %dma_wait3A] : memref<2x10000x16xf32, #tpu.memory_space<hbm>> -> memref<1x624x16xf32, #tpu.memory_space<hbm>>
      %dma_wait3A_21 = tpu.memref_squeeze %dma_wait3A_20 : memref<1x624x16xf32, #tpu.memory_space<hbm>> -> memref<624x16xf32, #tpu.memory_space<hbm>>
      %dma_wait3A_22 = arith.constant 0 : i32
      %dma_wait3A_23 = tpu.memref_slice %arg9[%mul3A_2, %dma_wait3A_22] : memref<10000x16xf32, #tpu.memory_space<vmem_shared>> -> memref<624x16xf32, #tpu.memory_space<vmem_shared>>
      tpu.wait_dma2 semaphore(%run_scoped3A : memref<!tpu.dma_semaphore, #tpu.memory_space<semaphore_mem>>) src(%dma_wait3A_23 : memref<624x16xf32, #tpu.memory_space<vmem_shared>>) dst(%dma_wait3A_21 : memref<624x16xf32, #tpu.memory_space<hbm>>)
      tpu.yield
    }) : () -> ()
    %eq3A_11 = arith.constant 15 : i32
    %eq3A_12 = arith.cmpi eq, %arg1, %eq3A_11 : i32
    %convert_element_type3A_13 = arith.extui %eq3A_12 : i1 to i32
    %cond3A_14 = arith.constant 0 : i32
    %cond3A_15 = arith.cmpi ne, %convert_element_type3A_13, %cond3A_14 : i32
    scf.if %cond3A_15 {
      "tpu.region"() ({
        %run_scoped3A = tpu.sem_alloc : memref<!tpu.dma_semaphore, #tpu.memory_space<semaphore_mem>>
        %dma_start3A = arith.constant 9984 : i32
        %dma_start3A_16 = arith.constant 0 : i32
        %dma_start3A_17 = tpu.memref_slice %arg5[%arg0, %dma_start3A, %dma_start3A_16] : memref<2x10000x16xf32, #tpu.memory_space<hbm>> -> memref<1x16x16xf32, #tpu.memory_space<hbm>>
        %dma_start3A_18 = tpu.memref_squeeze %dma_start3A_17 : memref<1x16x16xf32, #tpu.memory_space<hbm>> -> memref<16x16xf32, #tpu.memory_space<hbm>>
        %dma_start3A_19 = arith.constant 9984 : i32
        %dma_start3A_20 = arith.constant 0 : i32
        %dma_start3A_21 = tpu.memref_slice %arg9[%dma_start3A_19, %dma_start3A_20] : memref<10000x16xf32, #tpu.memory_space<vmem_shared>> -> memref<16x16xf32, #tpu.memory_space<vmem_shared>>
        tpu.enqueue_dma source(%dma_start3A_21 : memref<16x16xf32, #tpu.memory_space<vmem_shared>>) target(%dma_start3A_18 : memref<16x16xf32, #tpu.memory_space<hbm>>) target_semaphore(%run_scoped3A : memref<!tpu.dma_semaphore, #tpu.memory_space<semaphore_mem>>)
        %dma_wait3A = arith.constant 9984 : i32
        %dma_wait3A_22 = arith.constant 0 : i32
        %dma_wait3A_23 = tpu.memref_slice %arg5[%arg0, %dma_wait3A, %dma_wait3A_22] : memref<2x10000x16xf32, #tpu.memory_space<hbm>> -> memref<1x16x16xf32, #tpu.memory_space<hbm>>
        %dma_wait3A_24 = tpu.memref_squeeze %dma_wait3A_23 : memref<1x16x16xf32, #tpu.memory_space<hbm>> -> memref<16x16xf32, #tpu.memory_space<hbm>>
        %dma_wait3A_25 = arith.constant 9984 : i32
        %dma_wait3A_26 = arith.constant 0 : i32
        %dma_wait3A_27 = tpu.memref_slice %arg9[%dma_wait3A_25, %dma_wait3A_26] : memref<10000x16xf32, #tpu.memory_space<vmem_shared>> -> memref<16x16xf32, #tpu.memory_space<vmem_shared>>
        tpu.wait_dma2 semaphore(%run_scoped3A : memref<!tpu.dma_semaphore, #tpu.memory_space<semaphore_mem>>) src(%dma_wait3A_27 : memref<16x16xf32, #tpu.memory_space<vmem_shared>>) dst(%dma_wait3A_24 : memref<16x16xf32, #tpu.memory_space<hbm>>)
        tpu.yield
      }) : () -> ()
    } else {
    }
    return
  }
}

#map = affine_map<(d0, d1) -> (0, 0)>
#map1 = affine_map<(d0, d1) -> (0, 0, 0)>
module attributes {stable_mosaic.version = 14 : i64} {
  func.func @prop(%arg0: i32, %arg1: i32, %arg2: memref<10000x128xf32, #tpu.memory_space<hbm>>, %arg3: memref<32x125x80xi32, #tpu.memory_space<hbm>>, %arg4: memref<32x125x80xi32, #tpu.memory_space<hbm>>, %arg5: memref<2x10000x128xf32, #tpu.memory_space<hbm>>, %arg6: memref<125x80xi32, #tpu.memory_space<vmem>>, %arg7: memref<125x80xi32, #tpu.memory_space<vmem>>, %arg8: memref<80x128xf32, #tpu.memory_space<vmem>>, %arg9: memref<10000x128xf32, #tpu.memory_space<vmem_shared>>) attributes {dimension_semantics = [#tpu.dimension_semantics<core_parallel>, #tpu.dimension_semantics<subcore_parallel>], iteration_bounds = array<i64: 2, 16>, scalar_prefetch = 0 : i64, scratch_operands = 4 : i64, tpu.core_type = #tpu.core_type<sc_vector_subcore>, window_params = [{transform_indices = #map}, {transform_indices = #map1}, {transform_indices = #map1}, {transform_indices = #map1}]} {
    %mul3A = arith.constant 16 : i32
    %mul3A_0 = arith.muli %arg0, %mul3A : i32
    %add3A = arith.addi %mul3A_0, %arg1 : i32
    %mul3A_1 = arith.constant 624 : i32
    %mul3A_2 = arith.muli %arg1, %mul3A_1 : i32
    "tpu.region"() ({
      %run_scoped3A = tpu.sem_alloc : memref<!tpu.dma_semaphore, #tpu.memory_space<semaphore_mem>>
      %dma_start3A = arith.constant 0 : i32
      %dma_start3A_16 = tpu.memref_slice %arg9[%mul3A_2, %dma_start3A] : memref<10000x128xf32, #tpu.memory_space<vmem_shared>> -> memref<624x128xf32, #tpu.memory_space<vmem_shared>>
      %dma_start3A_17 = arith.constant 0 : i32
      %dma_start3A_18 = tpu.memref_slice %arg2[%mul3A_2, %dma_start3A_17] : memref<10000x128xf32, #tpu.memory_space<hbm>> -> memref<624x128xf32, #tpu.memory_space<hbm>>
      tpu.enqueue_dma source(%dma_start3A_18 : memref<624x128xf32, #tpu.memory_space<hbm>>) target(%dma_start3A_16 : memref<624x128xf32, #tpu.memory_space<vmem_shared>>) target_semaphore(%run_scoped3A : memref<!tpu.dma_semaphore, #tpu.memory_space<semaphore_mem>>)
      %dma_wait3A = arith.constant 0 : i32
      %dma_wait3A_19 = tpu.memref_slice %arg9[%mul3A_2, %dma_wait3A] : memref<10000x128xf32, #tpu.memory_space<vmem_shared>> -> memref<624x128xf32, #tpu.memory_space<vmem_shared>>
      %dma_wait3A_20 = arith.constant 0 : i32
      %dma_wait3A_21 = tpu.memref_slice %arg2[%mul3A_2, %dma_wait3A_20] : memref<10000x128xf32, #tpu.memory_space<hbm>> -> memref<624x128xf32, #tpu.memory_space<hbm>>
      tpu.wait_dma2 semaphore(%run_scoped3A : memref<!tpu.dma_semaphore, #tpu.memory_space<semaphore_mem>>) src(%dma_wait3A_21 : memref<624x128xf32, #tpu.memory_space<hbm>>) dst(%dma_wait3A_19 : memref<624x128xf32, #tpu.memory_space<vmem_shared>>)
      tpu.yield
    }) : () -> ()
    %eq3A = arith.constant 15 : i32
    %eq3A_3 = arith.cmpi eq, %arg1, %eq3A : i32
    %convert_element_type3A = arith.extui %eq3A_3 : i1 to i32
    %cond3A = arith.constant 0 : i32
    %cond3A_4 = arith.cmpi ne, %convert_element_type3A, %cond3A : i32
    scf.if %cond3A_4 {
      "tpu.region"() ({
        %run_scoped3A = tpu.sem_alloc : memref<!tpu.dma_semaphore, #tpu.memory_space<semaphore_mem>>
        %dma_start3A = arith.constant 9984 : i32
        %dma_start3A_16 = arith.constant 0 : i32
        %dma_start3A_17 = tpu.memref_slice %arg9[%dma_start3A, %dma_start3A_16] : memref<10000x128xf32, #tpu.memory_space<vmem_shared>> -> memref<16x128xf32, #tpu.memory_space<vmem_shared>>
        %dma_start3A_18 = arith.constant 9984 : i32
        %dma_start3A_19 = arith.constant 0 : i32
        %dma_start3A_20 = tpu.memref_slice %arg2[%dma_start3A_18, %dma_start3A_19] : memref<10000x128xf32, #tpu.memory_space<hbm>> -> memref<16x128xf32, #tpu.memory_space<hbm>>
        tpu.enqueue_dma source(%dma_start3A_20 : memref<16x128xf32, #tpu.memory_space<hbm>>) target(%dma_start3A_17 : memref<16x128xf32, #tpu.memory_space<vmem_shared>>) target_semaphore(%run_scoped3A : memref<!tpu.dma_semaphore, #tpu.memory_space<semaphore_mem>>)
        %dma_wait3A = arith.constant 9984 : i32
        %dma_wait3A_21 = arith.constant 0 : i32
        %dma_wait3A_22 = tpu.memref_slice %arg9[%dma_wait3A, %dma_wait3A_21] : memref<10000x128xf32, #tpu.memory_space<vmem_shared>> -> memref<16x128xf32, #tpu.memory_space<vmem_shared>>
        %dma_wait3A_23 = arith.constant 9984 : i32
        %dma_wait3A_24 = arith.constant 0 : i32
        %dma_wait3A_25 = tpu.memref_slice %arg2[%dma_wait3A_23, %dma_wait3A_24] : memref<10000x128xf32, #tpu.memory_space<hbm>> -> memref<16x128xf32, #tpu.memory_space<hbm>>
        tpu.wait_dma2 semaphore(%run_scoped3A : memref<!tpu.dma_semaphore, #tpu.memory_space<semaphore_mem>>) src(%dma_wait3A_25 : memref<16x128xf32, #tpu.memory_space<hbm>>) dst(%dma_wait3A_22 : memref<16x128xf32, #tpu.memory_space<vmem_shared>>)
        tpu.yield
      }) : () -> ()
    } else {
    }
    "tpu.region"() ({
      %run_scoped3A = tpu.sem_alloc : memref<!tpu.dma_semaphore, #tpu.memory_space<semaphore_mem>>
      %dma_start3A = arith.constant 0 : i32
      %dma_start3A_16 = arith.constant 0 : i32
      %dma_start3A_17 = tpu.memref_slice %arg3[%add3A, %dma_start3A, %dma_start3A_16] : memref<32x125x80xi32, #tpu.memory_space<hbm>> -> memref<1x125x80xi32, #tpu.memory_space<hbm>>
      %dma_start3A_18 = tpu.memref_squeeze %dma_start3A_17 : memref<1x125x80xi32, #tpu.memory_space<hbm>> -> memref<125x80xi32, #tpu.memory_space<hbm>>
      %dma_start3A_19 = arith.constant 0 : i32
      %dma_start3A_20 = arith.constant 0 : i32
      %dma_start3A_21 = tpu.memref_slice %arg3[%add3A, %dma_start3A_19, %dma_start3A_20] : memref<32x125x80xi32, #tpu.memory_space<hbm>> -> memref<1x125x80xi32, #tpu.memory_space<hbm>>
      %dma_start3A_22 = tpu.memref_squeeze %dma_start3A_21 : memref<1x125x80xi32, #tpu.memory_space<hbm>> -> memref<125x80xi32, #tpu.memory_space<hbm>>
      tpu.enqueue_dma source(%dma_start3A_22 : memref<125x80xi32, #tpu.memory_space<hbm>>) target(%arg6 : memref<125x80xi32, #tpu.memory_space<vmem>>) target_semaphore(%run_scoped3A : memref<!tpu.dma_semaphore, #tpu.memory_space<semaphore_mem>>)
      %dma_wait3A = arith.constant 0 : i32
      %dma_wait3A_23 = arith.constant 0 : i32
      %dma_wait3A_24 = tpu.memref_slice %arg3[%add3A, %dma_wait3A, %dma_wait3A_23] : memref<32x125x80xi32, #tpu.memory_space<hbm>> -> memref<1x125x80xi32, #tpu.memory_space<hbm>>
      %dma_wait3A_25 = tpu.memref_squeeze %dma_wait3A_24 : memref<1x125x80xi32, #tpu.memory_space<hbm>> -> memref<125x80xi32, #tpu.memory_space<hbm>>
      %dma_wait3A_26 = arith.constant 0 : i32
      %dma_wait3A_27 = arith.constant 0 : i32
      %dma_wait3A_28 = tpu.memref_slice %arg3[%add3A, %dma_wait3A_26, %dma_wait3A_27] : memref<32x125x80xi32, #tpu.memory_space<hbm>> -> memref<1x125x80xi32, #tpu.memory_space<hbm>>
      %dma_wait3A_29 = tpu.memref_squeeze %dma_wait3A_28 : memref<1x125x80xi32, #tpu.memory_space<hbm>> -> memref<125x80xi32, #tpu.memory_space<hbm>>
      tpu.wait_dma2 semaphore(%run_scoped3A : memref<!tpu.dma_semaphore, #tpu.memory_space<semaphore_mem>>) src(%dma_wait3A_29 : memref<125x80xi32, #tpu.memory_space<hbm>>) dst(%arg6 : memref<125x80xi32, #tpu.memory_space<vmem>>)
      tpu.yield
    }) : () -> ()
    "tpu.region"() ({
      %run_scoped3A = tpu.sem_alloc : memref<!tpu.dma_semaphore, #tpu.memory_space<semaphore_mem>>
      %dma_start3A = arith.constant 0 : i32
      %dma_start3A_16 = arith.constant 0 : i32
      %dma_start3A_17 = tpu.memref_slice %arg4[%add3A, %dma_start3A, %dma_start3A_16] : memref<32x125x80xi32, #tpu.memory_space<hbm>> -> memref<1x125x80xi32, #tpu.memory_space<hbm>>
      %dma_start3A_18 = tpu.memref_squeeze %dma_start3A_17 : memref<1x125x80xi32, #tpu.memory_space<hbm>> -> memref<125x80xi32, #tpu.memory_space<hbm>>
      %dma_start3A_19 = arith.constant 0 : i32
      %dma_start3A_20 = arith.constant 0 : i32
      %dma_start3A_21 = tpu.memref_slice %arg4[%add3A, %dma_start3A_19, %dma_start3A_20] : memref<32x125x80xi32, #tpu.memory_space<hbm>> -> memref<1x125x80xi32, #tpu.memory_space<hbm>>
      %dma_start3A_22 = tpu.memref_squeeze %dma_start3A_21 : memref<1x125x80xi32, #tpu.memory_space<hbm>> -> memref<125x80xi32, #tpu.memory_space<hbm>>
      tpu.enqueue_dma source(%dma_start3A_22 : memref<125x80xi32, #tpu.memory_space<hbm>>) target(%arg7 : memref<125x80xi32, #tpu.memory_space<vmem>>) target_semaphore(%run_scoped3A : memref<!tpu.dma_semaphore, #tpu.memory_space<semaphore_mem>>)
      %dma_wait3A = arith.constant 0 : i32
      %dma_wait3A_23 = arith.constant 0 : i32
      %dma_wait3A_24 = tpu.memref_slice %arg4[%add3A, %dma_wait3A, %dma_wait3A_23] : memref<32x125x80xi32, #tpu.memory_space<hbm>> -> memref<1x125x80xi32, #tpu.memory_space<hbm>>
      %dma_wait3A_25 = tpu.memref_squeeze %dma_wait3A_24 : memref<1x125x80xi32, #tpu.memory_space<hbm>> -> memref<125x80xi32, #tpu.memory_space<hbm>>
      %dma_wait3A_26 = arith.constant 0 : i32
      %dma_wait3A_27 = arith.constant 0 : i32
      %dma_wait3A_28 = tpu.memref_slice %arg4[%add3A, %dma_wait3A_26, %dma_wait3A_27] : memref<32x125x80xi32, #tpu.memory_space<hbm>> -> memref<1x125x80xi32, #tpu.memory_space<hbm>>
      %dma_wait3A_29 = tpu.memref_squeeze %dma_wait3A_28 : memref<1x125x80xi32, #tpu.memory_space<hbm>> -> memref<125x80xi32, #tpu.memory_space<hbm>>
      tpu.wait_dma2 semaphore(%run_scoped3A : memref<!tpu.dma_semaphore, #tpu.memory_space<semaphore_mem>>) src(%dma_wait3A_29 : memref<125x80xi32, #tpu.memory_space<hbm>>) dst(%arg7 : memref<125x80xi32, #tpu.memory_space<vmem>>)
      tpu.yield
    }) : () -> ()
    %barrier3A = arith.constant 0 : index
    tpu.barrier barrier_id(%barrier3A)
    %scan3A = arith.constant 0 : i32
    %scan3A_5 = arith.constant 0 : i32
    %scan3A_6 = arith.constant 125 : i32
    %scan3A_7 = arith.addi %scan3A_5, %scan3A_6 : i32
    %scan3A_8 = arith.constant 1 : i32
    scf.for %scan3A_16 = %scan3A_5 to %scan3A_7 step %scan3A_8  : i32 {
      "tpu.region"() ({
        %run_scoped3A = tpu.sem_alloc : memref<!tpu.dma_semaphore, #tpu.memory_space<semaphore_mem>>
        %dma_start3A = arith.constant 0 : i32
        %dma_start3A_17 = tpu.memref_slice %arg6[%scan3A_16, %dma_start3A] : memref<125x80xi32, #tpu.memory_space<vmem>> -> memref<1x80xi32, #tpu.memory_space<vmem>>
        %dma_start3A_18 = tpu.memref_squeeze %dma_start3A_17 : memref<1x80xi32, #tpu.memory_space<vmem>> -> memref<80xi32, #tpu.memory_space<vmem>>
        %dma_start3A_19 = arith.constant 0 : i32
        %dma_start3A_20 = arith.constant 0 : i32
        %dma_start3A_21 = tpu.memref_slice %arg2[%dma_start3A_19, %dma_start3A_20] : memref<10000x128xf32, #tpu.memory_space<hbm>> -> memref<10000x128xf32, #tpu.memory_space<hbm>>
        tpu.enqueue_indirect_dma source(%dma_start3A_21 : memref<10000x128xf32, #tpu.memory_space<hbm>>) target(%arg8 : memref<80x128xf32, #tpu.memory_space<vmem>>) offsets(%dma_start3A_18 : memref<80xi32, #tpu.memory_space<vmem>>) semaphore(%run_scoped3A : memref<!tpu.dma_semaphore, #tpu.memory_space<semaphore_mem>>)
        %dma_wait3A = arith.constant 0 : i32
        %dma_wait3A_22 = tpu.memref_slice %arg6[%scan3A_16, %dma_wait3A] : memref<125x80xi32, #tpu.memory_space<vmem>> -> memref<1x80xi32, #tpu.memory_space<vmem>>
        %dma_wait3A_23 = tpu.memref_squeeze %dma_wait3A_22 : memref<1x80xi32, #tpu.memory_space<vmem>> -> memref<80xi32, #tpu.memory_space<vmem>>
        %dma_wait3A_24 = arith.constant 0 : i32
        %dma_wait3A_25 = arith.constant 0 : i32
        %dma_wait3A_26 = tpu.memref_slice %arg2[%dma_wait3A_24, %dma_wait3A_25] : memref<10000x128xf32, #tpu.memory_space<hbm>> -> memref<10000x128xf32, #tpu.memory_space<hbm>>
        tpu.wait_indirect_dma semaphore(%run_scoped3A : memref<!tpu.dma_semaphore, #tpu.memory_space<semaphore_mem>>) src(%dma_wait3A_26 : memref<10000x128xf32, #tpu.memory_space<hbm>>) dst(%arg8 : memref<80x128xf32, #tpu.memory_space<vmem>>)
        tpu.yield
      }) : () -> ()
      "tpu.region"() ({
        %run_scoped3A = tpu.sem_alloc : memref<!tpu.dma_semaphore, #tpu.memory_space<semaphore_mem>>
        %dma_start3A = arith.constant 0 : i32
        %dma_start3A_17 = tpu.memref_slice %arg7[%scan3A_16, %dma_start3A] : memref<125x80xi32, #tpu.memory_space<vmem>> -> memref<1x80xi32, #tpu.memory_space<vmem>>
        %dma_start3A_18 = tpu.memref_squeeze %dma_start3A_17 : memref<1x80xi32, #tpu.memory_space<vmem>> -> memref<80xi32, #tpu.memory_space<vmem>>
        %dma_start3A_19 = arith.constant 0 : i32
        %dma_start3A_20 = arith.constant 0 : i32
        %dma_start3A_21 = tpu.memref_slice %arg9[%dma_start3A_19, %dma_start3A_20] : memref<10000x128xf32, #tpu.memory_space<vmem_shared>> -> memref<10000x128xf32, #tpu.memory_space<vmem_shared>>
        tpu.enqueue_indirect_dma source(%arg8 : memref<80x128xf32, #tpu.memory_space<vmem>>) target(%dma_start3A_21 : memref<10000x128xf32, #tpu.memory_space<vmem_shared>>) offsets(%dma_start3A_18 : memref<80xi32, #tpu.memory_space<vmem>>) semaphore(%run_scoped3A : memref<!tpu.dma_semaphore, #tpu.memory_space<semaphore_mem>>) {add = true}
        %dma_wait3A = arith.constant 0 : i32
        %dma_wait3A_22 = tpu.memref_slice %arg7[%scan3A_16, %dma_wait3A] : memref<125x80xi32, #tpu.memory_space<vmem>> -> memref<1x80xi32, #tpu.memory_space<vmem>>
        %dma_wait3A_23 = tpu.memref_squeeze %dma_wait3A_22 : memref<1x80xi32, #tpu.memory_space<vmem>> -> memref<80xi32, #tpu.memory_space<vmem>>
        %dma_wait3A_24 = arith.constant 0 : i32
        %dma_wait3A_25 = arith.constant 0 : i32
        %dma_wait3A_26 = tpu.memref_slice %arg9[%dma_wait3A_24, %dma_wait3A_25] : memref<10000x128xf32, #tpu.memory_space<vmem_shared>> -> memref<10000x128xf32, #tpu.memory_space<vmem_shared>>
        tpu.wait_indirect_dma semaphore(%run_scoped3A : memref<!tpu.dma_semaphore, #tpu.memory_space<semaphore_mem>>) src(%arg8 : memref<80x128xf32, #tpu.memory_space<vmem>>) dst(%dma_wait3A_26 : memref<10000x128xf32, #tpu.memory_space<vmem_shared>>)
        tpu.yield
      }) : () -> ()
    }
    %scan3A_9 = arith.constant 125 : i32
    %barrier3A_10 = arith.constant 0 : index
    tpu.barrier barrier_id(%barrier3A_10)
    "tpu.region"() ({
      %run_scoped3A = tpu.sem_alloc : memref<!tpu.dma_semaphore, #tpu.memory_space<semaphore_mem>>
      %dma_start3A = arith.constant 0 : i32
      %dma_start3A_16 = tpu.memref_slice %arg5[%arg0, %mul3A_2, %dma_start3A] : memref<2x10000x128xf32, #tpu.memory_space<hbm>> -> memref<1x624x128xf32, #tpu.memory_space<hbm>>
      %dma_start3A_17 = tpu.memref_squeeze %dma_start3A_16 : memref<1x624x128xf32, #tpu.memory_space<hbm>> -> memref<624x128xf32, #tpu.memory_space<hbm>>
      %dma_start3A_18 = arith.constant 0 : i32
      %dma_start3A_19 = tpu.memref_slice %arg9[%mul3A_2, %dma_start3A_18] : memref<10000x128xf32, #tpu.memory_space<vmem_shared>> -> memref<624x128xf32, #tpu.memory_space<vmem_shared>>
      tpu.enqueue_dma source(%dma_start3A_19 : memref<624x128xf32, #tpu.memory_space<vmem_shared>>) target(%dma_start3A_17 : memref<624x128xf32, #tpu.memory_space<hbm>>) target_semaphore(%run_scoped3A : memref<!tpu.dma_semaphore, #tpu.memory_space<semaphore_mem>>)
      %dma_wait3A = arith.constant 0 : i32
      %dma_wait3A_20 = tpu.memref_slice %arg5[%arg0, %mul3A_2, %dma_wait3A] : memref<2x10000x128xf32, #tpu.memory_space<hbm>> -> memref<1x624x128xf32, #tpu.memory_space<hbm>>
      %dma_wait3A_21 = tpu.memref_squeeze %dma_wait3A_20 : memref<1x624x128xf32, #tpu.memory_space<hbm>> -> memref<624x128xf32, #tpu.memory_space<hbm>>
      %dma_wait3A_22 = arith.constant 0 : i32
      %dma_wait3A_23 = tpu.memref_slice %arg9[%mul3A_2, %dma_wait3A_22] : memref<10000x128xf32, #tpu.memory_space<vmem_shared>> -> memref<624x128xf32, #tpu.memory_space<vmem_shared>>
      tpu.wait_dma2 semaphore(%run_scoped3A : memref<!tpu.dma_semaphore, #tpu.memory_space<semaphore_mem>>) src(%dma_wait3A_23 : memref<624x128xf32, #tpu.memory_space<vmem_shared>>) dst(%dma_wait3A_21 : memref<624x128xf32, #tpu.memory_space<hbm>>)
      tpu.yield
    }) : () -> ()
    %eq3A_11 = arith.constant 15 : i32
    %eq3A_12 = arith.cmpi eq, %arg1, %eq3A_11 : i32
    %convert_element_type3A_13 = arith.extui %eq3A_12 : i1 to i32
    %cond3A_14 = arith.constant 0 : i32
    %cond3A_15 = arith.cmpi ne, %convert_element_type3A_13, %cond3A_14 : i32
    scf.if %cond3A_15 {
      "tpu.region"() ({
        %run_scoped3A = tpu.sem_alloc : memref<!tpu.dma_semaphore, #tpu.memory_space<semaphore_mem>>
        %dma_start3A = arith.constant 9984 : i32
        %dma_start3A_16 = arith.constant 0 : i32
        %dma_start3A_17 = tpu.memref_slice %arg5[%arg0, %dma_start3A, %dma_start3A_16] : memref<2x10000x128xf32, #tpu.memory_space<hbm>> -> memref<1x16x128xf32, #tpu.memory_space<hbm>>
        %dma_start3A_18 = tpu.memref_squeeze %dma_start3A_17 : memref<1x16x128xf32, #tpu.memory_space<hbm>> -> memref<16x128xf32, #tpu.memory_space<hbm>>
        %dma_start3A_19 = arith.constant 9984 : i32
        %dma_start3A_20 = arith.constant 0 : i32
        %dma_start3A_21 = tpu.memref_slice %arg9[%dma_start3A_19, %dma_start3A_20] : memref<10000x128xf32, #tpu.memory_space<vmem_shared>> -> memref<16x128xf32, #tpu.memory_space<vmem_shared>>
        tpu.enqueue_dma source(%dma_start3A_21 : memref<16x128xf32, #tpu.memory_space<vmem_shared>>) target(%dma_start3A_18 : memref<16x128xf32, #tpu.memory_space<hbm>>) target_semaphore(%run_scoped3A : memref<!tpu.dma_semaphore, #tpu.memory_space<semaphore_mem>>)
        %dma_wait3A = arith.constant 9984 : i32
        %dma_wait3A_22 = arith.constant 0 : i32
        %dma_wait3A_23 = tpu.memref_slice %arg5[%arg0, %dma_wait3A, %dma_wait3A_22] : memref<2x10000x128xf32, #tpu.memory_space<hbm>> -> memref<1x16x128xf32, #tpu.memory_space<hbm>>
        %dma_wait3A_24 = tpu.memref_squeeze %dma_wait3A_23 : memref<1x16x128xf32, #tpu.memory_space<hbm>> -> memref<16x128xf32, #tpu.memory_space<hbm>>
        %dma_wait3A_25 = arith.constant 9984 : i32
        %dma_wait3A_26 = arith.constant 0 : i32
        %dma_wait3A_27 = tpu.memref_slice %arg9[%dma_wait3A_25, %dma_wait3A_26] : memref<10000x128xf32, #tpu.memory_space<vmem_shared>> -> memref<16x128xf32, #tpu.memory_space<vmem_shared>>
        tpu.wait_dma2 semaphore(%run_scoped3A : memref<!tpu.dma_semaphore, #tpu.memory_space<semaphore_mem>>) src(%dma_wait3A_27 : memref<16x128xf32, #tpu.memory_space<vmem_shared>>) dst(%dma_wait3A_24 : memref<16x128xf32, #tpu.memory_space<hbm>>)
        tpu.yield
      }) : () -> ()
    } else {
    }
    return
  }
}

#map = affine_map<(d0, d1) -> (0, 0)>
#map1 = affine_map<(d0, d1) -> (0, 0, 0)>
module attributes {stable_mosaic.version = 14 : i64} {
  func.func @prop(%arg0: i32, %arg1: i32, %arg2: memref<10000x16xf32, #tpu.memory_space<hbm>>, %arg3: memref<32x125x80xi32, #tpu.memory_space<hbm>>, %arg4: memref<32x125x80xi32, #tpu.memory_space<hbm>>, %arg5: memref<2x10000x16xf32, #tpu.memory_space<hbm>>, %arg6: memref<125x80xi32, #tpu.memory_space<vmem>>, %arg7: memref<125x80xi32, #tpu.memory_space<vmem>>, %arg8: memref<80x16xf32, #tpu.memory_space<vmem>>, %arg9: memref<10000x16xf32, #tpu.memory_space<vmem_shared>>) attributes {dimension_semantics = [#tpu.dimension_semantics<core_parallel>, #tpu.dimension_semantics<subcore_parallel>], iteration_bounds = array<i64: 2, 16>, scalar_prefetch = 0 : i64, scratch_operands = 4 : i64, tpu.core_type = #tpu.core_type<sc_vector_subcore>, window_params = [{transform_indices = #map}, {transform_indices = #map1}, {transform_indices = #map1}, {transform_indices = #map1}]} {
    %mul3A = arith.constant 16 : i32
    %mul3A_0 = arith.muli %arg0, %mul3A : i32
    %add3A = arith.addi %mul3A_0, %arg1 : i32
    %mul3A_1 = arith.constant 624 : i32
    %mul3A_2 = arith.muli %arg1, %mul3A_1 : i32
    "tpu.region"() ({
      %run_scoped3A = tpu.sem_alloc : memref<!tpu.dma_semaphore, #tpu.memory_space<semaphore_mem>>
      %dma_start3A = arith.constant 0 : i32
      %dma_start3A_16 = tpu.memref_slice %arg9[%mul3A_2, %dma_start3A] : memref<10000x16xf32, #tpu.memory_space<vmem_shared>> -> memref<624x16xf32, #tpu.memory_space<vmem_shared>>
      %dma_start3A_17 = arith.constant 0 : i32
      %dma_start3A_18 = tpu.memref_slice %arg2[%mul3A_2, %dma_start3A_17] : memref<10000x16xf32, #tpu.memory_space<hbm>> -> memref<624x16xf32, #tpu.memory_space<hbm>>
      tpu.enqueue_dma source(%dma_start3A_18 : memref<624x16xf32, #tpu.memory_space<hbm>>) target(%dma_start3A_16 : memref<624x16xf32, #tpu.memory_space<vmem_shared>>) target_semaphore(%run_scoped3A : memref<!tpu.dma_semaphore, #tpu.memory_space<semaphore_mem>>)
      %dma_wait3A = arith.constant 0 : i32
      %dma_wait3A_19 = tpu.memref_slice %arg9[%mul3A_2, %dma_wait3A] : memref<10000x16xf32, #tpu.memory_space<vmem_shared>> -> memref<624x16xf32, #tpu.memory_space<vmem_shared>>
      %dma_wait3A_20 = arith.constant 0 : i32
      %dma_wait3A_21 = tpu.memref_slice %arg2[%mul3A_2, %dma_wait3A_20] : memref<10000x16xf32, #tpu.memory_space<hbm>> -> memref<624x16xf32, #tpu.memory_space<hbm>>
      tpu.wait_dma2 semaphore(%run_scoped3A : memref<!tpu.dma_semaphore, #tpu.memory_space<semaphore_mem>>) src(%dma_wait3A_21 : memref<624x16xf32, #tpu.memory_space<hbm>>) dst(%dma_wait3A_19 : memref<624x16xf32, #tpu.memory_space<vmem_shared>>)
      tpu.yield
    }) : () -> ()
    %eq3A = arith.constant 15 : i32
    %eq3A_3 = arith.cmpi eq, %arg1, %eq3A : i32
    %convert_element_type3A = arith.extui %eq3A_3 : i1 to i32
    %cond3A = arith.constant 0 : i32
    %cond3A_4 = arith.cmpi ne, %convert_element_type3A, %cond3A : i32
    scf.if %cond3A_4 {
      "tpu.region"() ({
        %run_scoped3A = tpu.sem_alloc : memref<!tpu.dma_semaphore, #tpu.memory_space<semaphore_mem>>
        %dma_start3A = arith.constant 9984 : i32
        %dma_start3A_16 = arith.constant 0 : i32
        %dma_start3A_17 = tpu.memref_slice %arg9[%dma_start3A, %dma_start3A_16] : memref<10000x16xf32, #tpu.memory_space<vmem_shared>> -> memref<16x16xf32, #tpu.memory_space<vmem_shared>>
        %dma_start3A_18 = arith.constant 9984 : i32
        %dma_start3A_19 = arith.constant 0 : i32
        %dma_start3A_20 = tpu.memref_slice %arg2[%dma_start3A_18, %dma_start3A_19] : memref<10000x16xf32, #tpu.memory_space<hbm>> -> memref<16x16xf32, #tpu.memory_space<hbm>>
        tpu.enqueue_dma source(%dma_start3A_20 : memref<16x16xf32, #tpu.memory_space<hbm>>) target(%dma_start3A_17 : memref<16x16xf32, #tpu.memory_space<vmem_shared>>) target_semaphore(%run_scoped3A : memref<!tpu.dma_semaphore, #tpu.memory_space<semaphore_mem>>)
        %dma_wait3A = arith.constant 9984 : i32
        %dma_wait3A_21 = arith.constant 0 : i32
        %dma_wait3A_22 = tpu.memref_slice %arg9[%dma_wait3A, %dma_wait3A_21] : memref<10000x16xf32, #tpu.memory_space<vmem_shared>> -> memref<16x16xf32, #tpu.memory_space<vmem_shared>>
        %dma_wait3A_23 = arith.constant 9984 : i32
        %dma_wait3A_24 = arith.constant 0 : i32
        %dma_wait3A_25 = tpu.memref_slice %arg2[%dma_wait3A_23, %dma_wait3A_24] : memref<10000x16xf32, #tpu.memory_space<hbm>> -> memref<16x16xf32, #tpu.memory_space<hbm>>
        tpu.wait_dma2 semaphore(%run_scoped3A : memref<!tpu.dma_semaphore, #tpu.memory_space<semaphore_mem>>) src(%dma_wait3A_25 : memref<16x16xf32, #tpu.memory_space<hbm>>) dst(%dma_wait3A_22 : memref<16x16xf32, #tpu.memory_space<vmem_shared>>)
        tpu.yield
      }) : () -> ()
    } else {
    }
    "tpu.region"() ({
      %run_scoped3A = tpu.sem_alloc : memref<!tpu.dma_semaphore, #tpu.memory_space<semaphore_mem>>
      %dma_start3A = arith.constant 0 : i32
      %dma_start3A_16 = arith.constant 0 : i32
      %dma_start3A_17 = tpu.memref_slice %arg3[%add3A, %dma_start3A, %dma_start3A_16] : memref<32x125x80xi32, #tpu.memory_space<hbm>> -> memref<1x125x80xi32, #tpu.memory_space<hbm>>
      %dma_start3A_18 = tpu.memref_squeeze %dma_start3A_17 : memref<1x125x80xi32, #tpu.memory_space<hbm>> -> memref<125x80xi32, #tpu.memory_space<hbm>>
      %dma_start3A_19 = arith.constant 0 : i32
      %dma_start3A_20 = arith.constant 0 : i32
      %dma_start3A_21 = tpu.memref_slice %arg3[%add3A, %dma_start3A_19, %dma_start3A_20] : memref<32x125x80xi32, #tpu.memory_space<hbm>> -> memref<1x125x80xi32, #tpu.memory_space<hbm>>
      %dma_start3A_22 = tpu.memref_squeeze %dma_start3A_21 : memref<1x125x80xi32, #tpu.memory_space<hbm>> -> memref<125x80xi32, #tpu.memory_space<hbm>>
      tpu.enqueue_dma source(%dma_start3A_22 : memref<125x80xi32, #tpu.memory_space<hbm>>) target(%arg6 : memref<125x80xi32, #tpu.memory_space<vmem>>) target_semaphore(%run_scoped3A : memref<!tpu.dma_semaphore, #tpu.memory_space<semaphore_mem>>)
      %dma_wait3A = arith.constant 0 : i32
      %dma_wait3A_23 = arith.constant 0 : i32
      %dma_wait3A_24 = tpu.memref_slice %arg3[%add3A, %dma_wait3A, %dma_wait3A_23] : memref<32x125x80xi32, #tpu.memory_space<hbm>> -> memref<1x125x80xi32, #tpu.memory_space<hbm>>
      %dma_wait3A_25 = tpu.memref_squeeze %dma_wait3A_24 : memref<1x125x80xi32, #tpu.memory_space<hbm>> -> memref<125x80xi32, #tpu.memory_space<hbm>>
      %dma_wait3A_26 = arith.constant 0 : i32
      %dma_wait3A_27 = arith.constant 0 : i32
      %dma_wait3A_28 = tpu.memref_slice %arg3[%add3A, %dma_wait3A_26, %dma_wait3A_27] : memref<32x125x80xi32, #tpu.memory_space<hbm>> -> memref<1x125x80xi32, #tpu.memory_space<hbm>>
      %dma_wait3A_29 = tpu.memref_squeeze %dma_wait3A_28 : memref<1x125x80xi32, #tpu.memory_space<hbm>> -> memref<125x80xi32, #tpu.memory_space<hbm>>
      tpu.wait_dma2 semaphore(%run_scoped3A : memref<!tpu.dma_semaphore, #tpu.memory_space<semaphore_mem>>) src(%dma_wait3A_29 : memref<125x80xi32, #tpu.memory_space<hbm>>) dst(%arg6 : memref<125x80xi32, #tpu.memory_space<vmem>>)
      tpu.yield
    }) : () -> ()
    "tpu.region"() ({
      %run_scoped3A = tpu.sem_alloc : memref<!tpu.dma_semaphore, #tpu.memory_space<semaphore_mem>>
      %dma_start3A = arith.constant 0 : i32
      %dma_start3A_16 = arith.constant 0 : i32
      %dma_start3A_17 = tpu.memref_slice %arg4[%add3A, %dma_start3A, %dma_start3A_16] : memref<32x125x80xi32, #tpu.memory_space<hbm>> -> memref<1x125x80xi32, #tpu.memory_space<hbm>>
      %dma_start3A_18 = tpu.memref_squeeze %dma_start3A_17 : memref<1x125x80xi32, #tpu.memory_space<hbm>> -> memref<125x80xi32, #tpu.memory_space<hbm>>
      %dma_start3A_19 = arith.constant 0 : i32
      %dma_start3A_20 = arith.constant 0 : i32
      %dma_start3A_21 = tpu.memref_slice %arg4[%add3A, %dma_start3A_19, %dma_start3A_20] : memref<32x125x80xi32, #tpu.memory_space<hbm>> -> memref<1x125x80xi32, #tpu.memory_space<hbm>>
      %dma_start3A_22 = tpu.memref_squeeze %dma_start3A_21 : memref<1x125x80xi32, #tpu.memory_space<hbm>> -> memref<125x80xi32, #tpu.memory_space<hbm>>
      tpu.enqueue_dma source(%dma_start3A_22 : memref<125x80xi32, #tpu.memory_space<hbm>>) target(%arg7 : memref<125x80xi32, #tpu.memory_space<vmem>>) target_semaphore(%run_scoped3A : memref<!tpu.dma_semaphore, #tpu.memory_space<semaphore_mem>>)
      %dma_wait3A = arith.constant 0 : i32
      %dma_wait3A_23 = arith.constant 0 : i32
      %dma_wait3A_24 = tpu.memref_slice %arg4[%add3A, %dma_wait3A, %dma_wait3A_23] : memref<32x125x80xi32, #tpu.memory_space<hbm>> -> memref<1x125x80xi32, #tpu.memory_space<hbm>>
      %dma_wait3A_25 = tpu.memref_squeeze %dma_wait3A_24 : memref<1x125x80xi32, #tpu.memory_space<hbm>> -> memref<125x80xi32, #tpu.memory_space<hbm>>
      %dma_wait3A_26 = arith.constant 0 : i32
      %dma_wait3A_27 = arith.constant 0 : i32
      %dma_wait3A_28 = tpu.memref_slice %arg4[%add3A, %dma_wait3A_26, %dma_wait3A_27] : memref<32x125x80xi32, #tpu.memory_space<hbm>> -> memref<1x125x80xi32, #tpu.memory_space<hbm>>
      %dma_wait3A_29 = tpu.memref_squeeze %dma_wait3A_28 : memref<1x125x80xi32, #tpu.memory_space<hbm>> -> memref<125x80xi32, #tpu.memory_space<hbm>>
      tpu.wait_dma2 semaphore(%run_scoped3A : memref<!tpu.dma_semaphore, #tpu.memory_space<semaphore_mem>>) src(%dma_wait3A_29 : memref<125x80xi32, #tpu.memory_space<hbm>>) dst(%arg7 : memref<125x80xi32, #tpu.memory_space<vmem>>)
      tpu.yield
    }) : () -> ()
    %barrier3A = arith.constant 0 : index
    tpu.barrier barrier_id(%barrier3A)
    %scan3A = arith.constant 0 : i32
    %scan3A_5 = arith.constant 0 : i32
    %scan3A_6 = arith.constant 125 : i32
    %scan3A_7 = arith.addi %scan3A_5, %scan3A_6 : i32
    %scan3A_8 = arith.constant 1 : i32
    scf.for %scan3A_16 = %scan3A_5 to %scan3A_7 step %scan3A_8  : i32 {
      "tpu.region"() ({
        %run_scoped3A = tpu.sem_alloc : memref<!tpu.dma_semaphore, #tpu.memory_space<semaphore_mem>>
        %dma_start3A = arith.constant 0 : i32
        %dma_start3A_17 = tpu.memref_slice %arg6[%scan3A_16, %dma_start3A] : memref<125x80xi32, #tpu.memory_space<vmem>> -> memref<1x80xi32, #tpu.memory_space<vmem>>
        %dma_start3A_18 = tpu.memref_squeeze %dma_start3A_17 : memref<1x80xi32, #tpu.memory_space<vmem>> -> memref<80xi32, #tpu.memory_space<vmem>>
        %dma_start3A_19 = arith.constant 0 : i32
        %dma_start3A_20 = arith.constant 0 : i32
        %dma_start3A_21 = tpu.memref_slice %arg2[%dma_start3A_19, %dma_start3A_20] : memref<10000x16xf32, #tpu.memory_space<hbm>> -> memref<10000x16xf32, #tpu.memory_space<hbm>>
        tpu.enqueue_indirect_dma source(%dma_start3A_21 : memref<10000x16xf32, #tpu.memory_space<hbm>>) target(%arg8 : memref<80x16xf32, #tpu.memory_space<vmem>>) offsets(%dma_start3A_18 : memref<80xi32, #tpu.memory_space<vmem>>) semaphore(%run_scoped3A : memref<!tpu.dma_semaphore, #tpu.memory_space<semaphore_mem>>)
        %dma_wait3A = arith.constant 0 : i32
        %dma_wait3A_22 = tpu.memref_slice %arg6[%scan3A_16, %dma_wait3A] : memref<125x80xi32, #tpu.memory_space<vmem>> -> memref<1x80xi32, #tpu.memory_space<vmem>>
        %dma_wait3A_23 = tpu.memref_squeeze %dma_wait3A_22 : memref<1x80xi32, #tpu.memory_space<vmem>> -> memref<80xi32, #tpu.memory_space<vmem>>
        %dma_wait3A_24 = arith.constant 0 : i32
        %dma_wait3A_25 = arith.constant 0 : i32
        %dma_wait3A_26 = tpu.memref_slice %arg2[%dma_wait3A_24, %dma_wait3A_25] : memref<10000x16xf32, #tpu.memory_space<hbm>> -> memref<10000x16xf32, #tpu.memory_space<hbm>>
        tpu.wait_indirect_dma semaphore(%run_scoped3A : memref<!tpu.dma_semaphore, #tpu.memory_space<semaphore_mem>>) src(%dma_wait3A_26 : memref<10000x16xf32, #tpu.memory_space<hbm>>) dst(%arg8 : memref<80x16xf32, #tpu.memory_space<vmem>>)
        tpu.yield
      }) : () -> ()
      "tpu.region"() ({
        %run_scoped3A = tpu.sem_alloc : memref<!tpu.dma_semaphore, #tpu.memory_space<semaphore_mem>>
        %dma_start3A = arith.constant 0 : i32
        %dma_start3A_17 = tpu.memref_slice %arg7[%scan3A_16, %dma_start3A] : memref<125x80xi32, #tpu.memory_space<vmem>> -> memref<1x80xi32, #tpu.memory_space<vmem>>
        %dma_start3A_18 = tpu.memref_squeeze %dma_start3A_17 : memref<1x80xi32, #tpu.memory_space<vmem>> -> memref<80xi32, #tpu.memory_space<vmem>>
        %dma_start3A_19 = arith.constant 0 : i32
        %dma_start3A_20 = arith.constant 0 : i32
        %dma_start3A_21 = tpu.memref_slice %arg9[%dma_start3A_19, %dma_start3A_20] : memref<10000x16xf32, #tpu.memory_space<vmem_shared>> -> memref<10000x16xf32, #tpu.memory_space<vmem_shared>>
        tpu.enqueue_indirect_dma source(%arg8 : memref<80x16xf32, #tpu.memory_space<vmem>>) target(%dma_start3A_21 : memref<10000x16xf32, #tpu.memory_space<vmem_shared>>) offsets(%dma_start3A_18 : memref<80xi32, #tpu.memory_space<vmem>>) semaphore(%run_scoped3A : memref<!tpu.dma_semaphore, #tpu.memory_space<semaphore_mem>>) {add = true}
        %dma_wait3A = arith.constant 0 : i32
        %dma_wait3A_22 = tpu.memref_slice %arg7[%scan3A_16, %dma_wait3A] : memref<125x80xi32, #tpu.memory_space<vmem>> -> memref<1x80xi32, #tpu.memory_space<vmem>>
        %dma_wait3A_23 = tpu.memref_squeeze %dma_wait3A_22 : memref<1x80xi32, #tpu.memory_space<vmem>> -> memref<80xi32, #tpu.memory_space<vmem>>
        %dma_wait3A_24 = arith.constant 0 : i32
        %dma_wait3A_25 = arith.constant 0 : i32
        %dma_wait3A_26 = tpu.memref_slice %arg9[%dma_wait3A_24, %dma_wait3A_25] : memref<10000x16xf32, #tpu.memory_space<vmem_shared>> -> memref<10000x16xf32, #tpu.memory_space<vmem_shared>>
        tpu.wait_indirect_dma semaphore(%run_scoped3A : memref<!tpu.dma_semaphore, #tpu.memory_space<semaphore_mem>>) src(%arg8 : memref<80x16xf32, #tpu.memory_space<vmem>>) dst(%dma_wait3A_26 : memref<10000x16xf32, #tpu.memory_space<vmem_shared>>)
        tpu.yield
      }) : () -> ()
    }
    %scan3A_9 = arith.constant 125 : i32
    %barrier3A_10 = arith.constant 0 : index
    tpu.barrier barrier_id(%barrier3A_10)
    "tpu.region"() ({
      %run_scoped3A = tpu.sem_alloc : memref<!tpu.dma_semaphore, #tpu.memory_space<semaphore_mem>>
      %dma_start3A = arith.constant 0 : i32
      %dma_start3A_16 = tpu.memref_slice %arg5[%arg0, %mul3A_2, %dma_start3A] : memref<2x10000x16xf32, #tpu.memory_space<hbm>> -> memref<1x624x16xf32, #tpu.memory_space<hbm>>
      %dma_start3A_17 = tpu.memref_squeeze %dma_start3A_16 : memref<1x624x16xf32, #tpu.memory_space<hbm>> -> memref<624x16xf32, #tpu.memory_space<hbm>>
      %dma_start3A_18 = arith.constant 0 : i32
      %dma_start3A_19 = tpu.memref_slice %arg9[%mul3A_2, %dma_start3A_18] : memref<10000x16xf32, #tpu.memory_space<vmem_shared>> -> memref<624x16xf32, #tpu.memory_space<vmem_shared>>
      tpu.enqueue_dma source(%dma_start3A_19 : memref<624x16xf32, #tpu.memory_space<vmem_shared>>) target(%dma_start3A_17 : memref<624x16xf32, #tpu.memory_space<hbm>>) target_semaphore(%run_scoped3A : memref<!tpu.dma_semaphore, #tpu.memory_space<semaphore_mem>>)
      %dma_wait3A = arith.constant 0 : i32
      %dma_wait3A_20 = tpu.memref_slice %arg5[%arg0, %mul3A_2, %dma_wait3A] : memref<2x10000x16xf32, #tpu.memory_space<hbm>> -> memref<1x624x16xf32, #tpu.memory_space<hbm>>
      %dma_wait3A_21 = tpu.memref_squeeze %dma_wait3A_20 : memref<1x624x16xf32, #tpu.memory_space<hbm>> -> memref<624x16xf32, #tpu.memory_space<hbm>>
      %dma_wait3A_22 = arith.constant 0 : i32
      %dma_wait3A_23 = tpu.memref_slice %arg9[%mul3A_2, %dma_wait3A_22] : memref<10000x16xf32, #tpu.memory_space<vmem_shared>> -> memref<624x16xf32, #tpu.memory_space<vmem_shared>>
      tpu.wait_dma2 semaphore(%run_scoped3A : memref<!tpu.dma_semaphore, #tpu.memory_space<semaphore_mem>>) src(%dma_wait3A_23 : memref<624x16xf32, #tpu.memory_space<vmem_shared>>) dst(%dma_wait3A_21 : memref<624x16xf32, #tpu.memory_space<hbm>>)
      tpu.yield
    }) : () -> ()
    %eq3A_11 = arith.constant 15 : i32
    %eq3A_12 = arith.cmpi eq, %arg1, %eq3A_11 : i32
    %convert_element_type3A_13 = arith.extui %eq3A_12 : i1 to i32
    %cond3A_14 = arith.constant 0 : i32
    %cond3A_15 = arith.cmpi ne, %convert_element_type3A_13, %cond3A_14 : i32
    scf.if %cond3A_15 {
      "tpu.region"() ({
        %run_scoped3A = tpu.sem_alloc : memref<!tpu.dma_semaphore, #tpu.memory_space<semaphore_mem>>
        %dma_start3A = arith.constant 9984 : i32
        %dma_start3A_16 = arith.constant 0 : i32
        %dma_start3A_17 = tpu.memref_slice %arg5[%arg0, %dma_start3A, %dma_start3A_16] : memref<2x10000x16xf32, #tpu.memory_space<hbm>> -> memref<1x16x16xf32, #tpu.memory_space<hbm>>
        %dma_start3A_18 = tpu.memref_squeeze %dma_start3A_17 : memref<1x16x16xf32, #tpu.memory_space<hbm>> -> memref<16x16xf32, #tpu.memory_space<hbm>>
        %dma_start3A_19 = arith.constant 9984 : i32
        %dma_start3A_20 = arith.constant 0 : i32
        %dma_start3A_21 = tpu.memref_slice %arg9[%dma_start3A_19, %dma_start3A_20] : memref<10000x16xf32, #tpu.memory_space<vmem_shared>> -> memref<16x16xf32, #tpu.memory_space<vmem_shared>>
        tpu.enqueue_dma source(%dma_start3A_21 : memref<16x16xf32, #tpu.memory_space<vmem_shared>>) target(%dma_start3A_18 : memref<16x16xf32, #tpu.memory_space<hbm>>) target_semaphore(%run_scoped3A : memref<!tpu.dma_semaphore, #tpu.memory_space<semaphore_mem>>)
        %dma_wait3A = arith.constant 9984 : i32
        %dma_wait3A_22 = arith.constant 0 : i32
        %dma_wait3A_23 = tpu.memref_slice %arg5[%arg0, %dma_wait3A, %dma_wait3A_22] : memref<2x10000x16xf32, #tpu.memory_space<hbm>> -> memref<1x16x16xf32, #tpu.memory_space<hbm>>
        %dma_wait3A_24 = tpu.memref_squeeze %dma_wait3A_23 : memref<1x16x16xf32, #tpu.memory_space<hbm>> -> memref<16x16xf32, #tpu.memory_space<hbm>>
        %dma_wait3A_25 = arith.constant 9984 : i32
        %dma_wait3A_26 = arith.constant 0 : i32
        %dma_wait3A_27 = tpu.memref_slice %arg9[%dma_wait3A_25, %dma_wait3A_26] : memref<10000x16xf32, #tpu.memory_space<vmem_shared>> -> memref<16x16xf32, #tpu.memory_space<vmem_shared>>
        tpu.wait_dma2 semaphore(%run_scoped3A : memref<!tpu.dma_semaphore, #tpu.memory_space<semaphore_mem>>) src(%dma_wait3A_27 : memref<16x16xf32, #tpu.memory_space<vmem_shared>>) dst(%dma_wait3A_24 : memref<16x16xf32, #tpu.memory_space<hbm>>)
        tpu.yield
      }) : () -> ()
    } else {
    }
    return
  }
}

module attributes {stable_mosaic.version = 14 : i64} {
  func.func @body(%arg0: i32, %arg1: memref<1000x128xf32, #tpu.memory_space<vmem>>, %arg2: memref<128x128xf32, #tpu.memory_space<vmem>>, %arg3: memref<2x1000x16xf32, #tpu.memory_space<vmem>>, %arg4: memref<1000x128xf32, #tpu.memory_space<vmem>>, %arg5: memref<1000x1xf32, #tpu.memory_space<vmem>>) attributes {dimension_semantics = [#tpu.dimension_semantics<arbitrary>], iteration_bounds = array<i64: 10>, scalar_prefetch = 0 : i64, scratch_operands = 0 : i64, tpu.core_type = #tpu.core_type<tc>, window_params = [{transform_indices = @transform_0, window_bounds = array<i64: 1000, 128>}, {pipeline_mode = #tpu.pipeline_mode<synchronous>, transform_indices = @transform_1, window_bounds = array<i64: 128, 128>}, {transform_indices = @transform_2, window_bounds = array<i64: 2, 1000, 16>}, {transform_indices = @transform_3, window_bounds = array<i64: 1000, 128>}, {transform_indices = @transform_4, window_bounds = array<i64: 1000, 1>}]} {
    %get3A = arith.constant 0 : index
    %get3A_0 = arith.constant 0 : index
    %get3A_1 = arith.constant 0 : index
    %get3A_2 = vector.load %arg3[%get3A, %get3A_0, %get3A_1] : memref<2x1000x16xf32, #tpu.memory_space<vmem>>, vector<1x1000x1xf32>
    %get3A_3 = vector.shape_cast %get3A_2 : vector<1x1000x1xf32> to vector<1000x1xf32>
    %get3A_4 = arith.constant 1 : index
    %get3A_5 = arith.constant 0 : index
    %get3A_6 = arith.constant 0 : index
    %get3A_7 = vector.load %arg3[%get3A_4, %get3A_5, %get3A_6] : memref<2x1000x16xf32, #tpu.memory_space<vmem>>, vector<1x1000x1xf32>
    %get3A_8 = vector.shape_cast %get3A_7 : vector<1x1000x1xf32> to vector<1000x1xf32>
    %add3A = arith.addf %get3A_3, %get3A_8 : vector<1000x1xf32>
    %sub3A = arith.constant 1.000000e+00 : f32
    %sub3A_9 = vector.broadcast %sub3A : f32 to vector<1000x1xf32>
    %sub3A_10 = arith.subf %add3A, %sub3A_9 : vector<1000x1xf32>
    %rsqrt3A = math.rsqrt %sub3A_10 : vector<1000x1xf32>
    %get3A_11 = arith.constant 0 : index
    %get3A_12 = arith.constant 0 : index
    %get3A_13 = vector.load %arg1[%get3A_11, %get3A_12] : memref<1000x128xf32, #tpu.memory_space<vmem>>, vector<1000x128xf32>
    %get3A_14 = arith.constant 0 : index
    %get3A_15 = arith.constant 0 : index
    %get3A_16 = vector.load %arg2[%get3A_14, %get3A_15] : memref<128x128xf32, #tpu.memory_space<vmem>>, vector<128x128xf32>
    %dot_general3A = arith.constant dense<0.000000e+00> : vector<1000x128xf32>
    %dot_general3A_17 = tpu.matmul %get3A_13, %get3A_16, %dot_general3A {dimension_numbers = #tpu.dot_dimension_numbers<[1], [0], [0], [1], [0, 0, 1, 1], [], []>, transpose_lhs_hint = false} : vector<1000x128xf32>, vector<128x128xf32>, vector<1000x128xf32> -> vector<1000x128xf32>
    %mul3A = vector.broadcast %rsqrt3A : vector<1000x1xf32> to vector<1000x128xf32>
    %mul3A_18 = arith.mulf %dot_general3A_17, %mul3A : vector<1000x128xf32>
    %swap3A = arith.constant 0 : index
    %swap3A_19 = arith.constant 0 : index
    %swap3A_20 = vector.load %arg4[%swap3A, %swap3A_19] : memref<1000x128xf32, #tpu.memory_space<vmem>>, vector<1000x128xf32>
    tpu.vector_store %arg4[%swap3A, %swap3A_19], %mul3A_18 {strides = array<i32>} : memref<1000x128xf32, #tpu.memory_space<vmem>>, vector<1000x128xf32>,
    %swap3A_21 = arith.constant 0 : index
    %swap3A_22 = arith.constant 0 : index
    %swap3A_23 = vector.load %arg5[%swap3A_21, %swap3A_22] : memref<1000x1xf32, #tpu.memory_space<vmem>>, vector<1000x1xf32>
    tpu.vector_store %arg5[%swap3A_21, %swap3A_22], %rsqrt3A {strides = array<i32>} : memref<1000x1xf32, #tpu.memory_space<vmem>>, vector<1000x1xf32>,
    return
  }
  func.func @transform_0(%arg0: i32) -> (i32, i32) {
    %c0_i32 = arith.constant 0 : i32
    %c0_i32_0 = arith.constant 0 : i32
    return %arg0, %c0_i32 : i32, i32
  }
  func.func @transform_1(%arg0: i32) -> (i32, i32) {
    %c0_i32 = arith.constant 0 : i32
    %c0_i32_0 = arith.constant 0 : i32
    %c0_i32_1 = arith.constant 0 : i32
    return %c0_i32, %c0_i32_0 : i32, i32
  }
  func.func @transform_2(%arg0: i32) -> (i32, i32, i32) {
    %c0_i32 = arith.constant 0 : i32
    %c0_i32_0 = arith.constant 0 : i32
    %c0_i32_1 = arith.constant 0 : i32
    return %c0_i32, %arg0, %c0_i32_0 : i32, i32, i32
  }
  func.func @transform_3(%arg0: i32) -> (i32, i32) {
    %c0_i32 = arith.constant 0 : i32
    %c0_i32_0 = arith.constant 0 : i32
    return %arg0, %c0_i32 : i32, i32
  }
  func.func @transform_4(%arg0: i32) -> (i32, i32) {
    %c0_i32 = arith.constant 0 : i32
    %c0_i32_0 = arith.constant 0 : i32
    return %arg0, %c0_i32 : i32, i32
  }
}

module attributes {stable_mosaic.version = 14 : i64} {
  func.func @body(%arg0: i32, %arg1: memref<2x1000x128xf32, #tpu.memory_space<vmem>>, %arg2: memref<1000x128xf32, #tpu.memory_space<vmem>>, %arg3: memref<1000x1xf32, #tpu.memory_space<vmem>>, %arg4: memref<1x128xf32, #tpu.memory_space<vmem>>, %arg5: memref<128x16xf32, #tpu.memory_space<vmem>>, %arg6: memref<1000x16xf32, #tpu.memory_space<vmem>>) attributes {dimension_semantics = [#tpu.dimension_semantics<arbitrary>], iteration_bounds = array<i64: 10>, scalar_prefetch = 0 : i64, scratch_operands = 0 : i64, tpu.core_type = #tpu.core_type<tc>, window_params = [{transform_indices = @transform_0, window_bounds = array<i64: 2, 1000, 128>}, {transform_indices = @transform_1, window_bounds = array<i64: 1000, 128>}, {transform_indices = @transform_2, window_bounds = array<i64: 1000, 1>}, {pipeline_mode = #tpu.pipeline_mode<synchronous>, transform_indices = @transform_3, window_bounds = array<i64: 1, 128>}, {pipeline_mode = #tpu.pipeline_mode<synchronous>, transform_indices = @transform_4, window_bounds = array<i64: 128, 16>}, {transform_indices = @transform_5, window_bounds = array<i64: 1000, 16>}]} {
    %get3A = arith.constant 0 : index
    %get3A_0 = arith.constant 0 : index
    %get3A_1 = arith.constant 0 : index
    %get3A_2 = vector.load %arg1[%get3A, %get3A_0, %get3A_1] : memref<2x1000x128xf32, #tpu.memory_space<vmem>>, vector<1x1000x128xf32>
    %get3A_3 = vector.shape_cast %get3A_2 : vector<1x1000x128xf32> to vector<1000x128xf32>
    %get3A_4 = arith.constant 1 : index
    %get3A_5 = arith.constant 0 : index
    %get3A_6 = arith.constant 0 : index
    %get3A_7 = vector.load %arg1[%get3A_4, %get3A_5, %get3A_6] : memref<2x1000x128xf32, #tpu.memory_space<vmem>>, vector<1x1000x128xf32>
    %get3A_8 = vector.shape_cast %get3A_7 : vector<1x1000x128xf32> to vector<1000x128xf32>
    %add3A = arith.addf %get3A_3, %get3A_8 : vector<1000x128xf32>
    %get3A_9 = arith.constant 0 : index
    %get3A_10 = arith.constant 0 : index
    %get3A_11 = vector.load %arg2[%get3A_9, %get3A_10] : memref<1000x128xf32, #tpu.memory_space<vmem>>, vector<1000x128xf32>
    %sub3A = arith.subf %add3A, %get3A_11 : vector<1000x128xf32>
    %get3A_12 = arith.constant 0 : index
    %get3A_13 = arith.constant 0 : index
    %get3A_14 = vector.load %arg3[%get3A_12, %get3A_13] : memref<1000x1xf32, #tpu.memory_space<vmem>>, vector<1000x1xf32>
    %mul3A = vector.broadcast %get3A_14 : vector<1000x1xf32> to vector<1000x128xf32>
    %mul3A_15 = arith.mulf %sub3A, %mul3A : vector<1000x128xf32>
    %get3A_16 = arith.constant 0 : index
    %get3A_17 = arith.constant 0 : index
    %get3A_18 = vector.load %arg4[%get3A_16, %get3A_17] : memref<1x128xf32, #tpu.memory_space<vmem>>, vector<1x128xf32>
    %add3A_19 = vector.broadcast %get3A_18 : vector<1x128xf32> to vector<1000x128xf32>
    %add3A_20 = arith.addf %mul3A_15, %add3A_19 : vector<1000x128xf32>
    %max3A = arith.constant 0.000000e+00 : f32
    %max3A_21 = vector.broadcast %max3A : f32 to vector<1000x128xf32>
    %max3A_22 = arith.maximumf %add3A_20, %max3A_21 : vector<1000x128xf32>
    %get3A_23 = arith.constant 0 : index
    %get3A_24 = arith.constant 0 : index
    %get3A_25 = vector.load %arg5[%get3A_23, %get3A_24] : memref<128x16xf32, #tpu.memory_space<vmem>>, vector<128x16xf32>
    %dot_general3A = arith.constant dense<0.000000e+00> : vector<1000x16xf32>
    %dot_general3A_26 = tpu.matmul %max3A_22, %get3A_25, %dot_general3A {dimension_numbers = #tpu.dot_dimension_numbers<[1], [0], [0], [1], [0, 0, 1, 1], [], []>, transpose_lhs_hint = false} : vector<1000x128xf32>, vector<128x16xf32>, vector<1000x16xf32> -> vector<1000x16xf32>
    %get3A_27 = arith.constant 0 : index
    %get3A_28 = arith.constant 0 : index
    %get3A_29 = vector.load %arg3[%get3A_27, %get3A_28] : memref<1000x1xf32, #tpu.memory_space<vmem>>, vector<1000x1xf32>
    %mul3A_30 = vector.broadcast %get3A_29 : vector<1000x1xf32> to vector<1000x16xf32>
    %mul3A_31 = arith.mulf %dot_general3A_26, %mul3A_30 : vector<1000x16xf32>
    %swap3A = arith.constant 0 : index
    %swap3A_32 = arith.constant 0 : index
    %swap3A_33 = vector.load %arg6[%swap3A, %swap3A_32] : memref<1000x16xf32, #tpu.memory_space<vmem>>, vector<1000x16xf32>
    tpu.vector_store %arg6[%swap3A, %swap3A_32], %mul3A_31 {strides = array<i32>} : memref<1000x16xf32, #tpu.memory_space<vmem>>, vector<1000x16xf32>,
    return
  }
  func.func @transform_0(%arg0: i32) -> (i32, i32, i32) {
    %c0_i32 = arith.constant 0 : i32
    %c0_i32_0 = arith.constant 0 : i32
    %c0_i32_1 = arith.constant 0 : i32
    return %c0_i32, %arg0, %c0_i32_0 : i32, i32, i32
  }
  func.func @transform_1(%arg0: i32) -> (i32, i32) {
    %c0_i32 = arith.constant 0 : i32
    %c0_i32_0 = arith.constant 0 : i32
    return %arg0, %c0_i32 : i32, i32
  }
  func.func @transform_2(%arg0: i32) -> (i32, i32) {
    %c0_i32 = arith.constant 0 : i32
    %c0_i32_0 = arith.constant 0 : i32
    return %arg0, %c0_i32 : i32, i32
  }
  func.func @transform_3(%arg0: i32) -> (i32, i32) {
    %c0_i32 = arith.constant 0 : i32
    %c0_i32_0 = arith.constant 0 : i32
    %c0_i32_1 = arith.constant 0 : i32
    return %c0_i32, %c0_i32_0 : i32, i32
  }
  func.func @transform_4(%arg0: i32) -> (i32, i32) {
    %c0_i32 = arith.constant 0 : i32
    %c0_i32_0 = arith.constant 0 : i32
    %c0_i32_1 = arith.constant 0 : i32
    return %c0_i32, %c0_i32_0 : i32, i32
  }
  func.func @transform_5(%arg0: i32) -> (i32, i32) {
    %c0_i32 = arith.constant 0 : i32
    %c0_i32_0 = arith.constant 0 : i32
    return %arg0, %c0_i32 : i32, i32
  }
}

module attributes {stable_mosaic.version = 14 : i64} {
  func.func @body(%arg0: i32, %arg1: memref<2x1000x16xf32, #tpu.memory_space<vmem>>, %arg2: memref<1000x16xf32, #tpu.memory_space<vmem>>, %arg3: memref<1000x1xf32, #tpu.memory_space<vmem>>, %arg4: memref<1x16xf32, #tpu.memory_space<vmem>>, %arg5: memref<1000x16xf32, #tpu.memory_space<vmem>>) attributes {dimension_semantics = [#tpu.dimension_semantics<arbitrary>], iteration_bounds = array<i64: 10>, scalar_prefetch = 0 : i64, scratch_operands = 0 : i64, tpu.core_type = #tpu.core_type<tc>, window_params = [{transform_indices = @transform_0, window_bounds = array<i64: 2, 1000, 16>}, {transform_indices = @transform_1, window_bounds = array<i64: 1000, 16>}, {transform_indices = @transform_2, window_bounds = array<i64: 1000, 1>}, {pipeline_mode = #tpu.pipeline_mode<synchronous>, transform_indices = @transform_3, window_bounds = array<i64: 1, 16>}, {transform_indices = @transform_4, window_bounds = array<i64: 1000, 16>}]} {
    %get3A = arith.constant 0 : index
    %get3A_0 = arith.constant 0 : index
    %get3A_1 = arith.constant 0 : index
    %get3A_2 = vector.load %arg1[%get3A, %get3A_0, %get3A_1] : memref<2x1000x16xf32, #tpu.memory_space<vmem>>, vector<1x1000x16xf32>
    %get3A_3 = vector.shape_cast %get3A_2 : vector<1x1000x16xf32> to vector<1000x16xf32>
    %get3A_4 = arith.constant 1 : index
    %get3A_5 = arith.constant 0 : index
    %get3A_6 = arith.constant 0 : index
    %get3A_7 = vector.load %arg1[%get3A_4, %get3A_5, %get3A_6] : memref<2x1000x16xf32, #tpu.memory_space<vmem>>, vector<1x1000x16xf32>
    %get3A_8 = vector.shape_cast %get3A_7 : vector<1x1000x16xf32> to vector<1000x16xf32>
    %add3A = arith.addf %get3A_3, %get3A_8 : vector<1000x16xf32>
    %get3A_9 = arith.constant 0 : index
    %get3A_10 = arith.constant 0 : index
    %get3A_11 = vector.load %arg2[%get3A_9, %get3A_10] : memref<1000x16xf32, #tpu.memory_space<vmem>>, vector<1000x16xf32>
    %sub3A = arith.subf %add3A, %get3A_11 : vector<1000x16xf32>
    %get3A_12 = arith.constant 0 : index
    %get3A_13 = arith.constant 0 : index
    %get3A_14 = vector.load %arg3[%get3A_12, %get3A_13] : memref<1000x1xf32, #tpu.memory_space<vmem>>, vector<1000x1xf32>
    %mul3A = vector.broadcast %get3A_14 : vector<1000x1xf32> to vector<1000x16xf32>
    %mul3A_15 = arith.mulf %sub3A, %mul3A : vector<1000x16xf32>
    %get3A_16 = arith.constant 0 : index
    %get3A_17 = arith.constant 0 : index
    %get3A_18 = vector.load %arg4[%get3A_16, %get3A_17] : memref<1x16xf32, #tpu.memory_space<vmem>>, vector<1x16xf32>
    %add3A_19 = vector.broadcast %get3A_18 : vector<1x16xf32> to vector<1000x16xf32>
    %add3A_20 = arith.addf %mul3A_15, %add3A_19 : vector<1000x16xf32>
    %swap3A = arith.constant 0 : index
    %swap3A_21 = arith.constant 0 : index
    %swap3A_22 = vector.load %arg5[%swap3A, %swap3A_21] : memref<1000x16xf32, #tpu.memory_space<vmem>>, vector<1000x16xf32>
    tpu.vector_store %arg5[%swap3A, %swap3A_21], %add3A_20 {strides = array<i32>} : memref<1000x16xf32, #tpu.memory_space<vmem>>, vector<1000x16xf32>,
    return
  }
  func.func @transform_0(%arg0: i32) -> (i32, i32, i32) {
    %c0_i32 = arith.constant 0 : i32
    %c0_i32_0 = arith.constant 0 : i32
    %c0_i32_1 = arith.constant 0 : i32
    return %c0_i32, %arg0, %c0_i32_0 : i32, i32, i32
  }
  func.func @transform_1(%arg0: i32) -> (i32, i32) {
    %c0_i32 = arith.constant 0 : i32
    %c0_i32_0 = arith.constant 0 : i32
    return %arg0, %c0_i32 : i32, i32
  }
  func.func @transform_2(%arg0: i32) -> (i32, i32) {
    %c0_i32 = arith.constant 0 : i32
    %c0_i32_0 = arith.constant 0 : i32
    return %arg0, %c0_i32 : i32, i32
  }
  func.func @transform_3(%arg0: i32) -> (i32, i32) {
    %c0_i32 = arith.constant 0 : i32
    %c0_i32_0 = arith.constant 0 : i32
    %c0_i32_1 = arith.constant 0 : i32
    return %c0_i32, %c0_i32_0 : i32, i32
  }
  func.func @transform_4(%arg0: i32) -> (i32, i32) {
    %c0_i32 = arith.constant 0 : i32
    %c0_i32_0 = arith.constant 0 : i32
    return %arg0, %c0_i32 : i32, i32
  }
}

</mosaic_0001>

<sc_bundles>
// kernel: kernel.11.cloned.1.call-start
scs
__scs_entry_jumppad:
0x0: {  	(pc) =	sbr.rel $0x88, $3  }
0x1: {  	(tag) =	ssettag $0x0;
	lr =	simm.s32 $0x1  }
0x2: {  	[smem:$0x3F9B] =	sst lr;
	_ =	strace $0xD0000000  }
0x3: {  	_ = 	snop  }
0x4: {  	_ = 	snop  }
0x5: {  	_ = 	snop  }
0x6: {  	_ = 	snop  }
0x7: {  	_ = 	snop  }
__scs_overlays_trampoline_lowered:
0x8: {  	[smem:$0x3FAA] =	sst s0  }
0x9: {  	[smem:$0x3FAB] =	sst s1  }
0xa: {  	[smem:$0x3FAC] =	sst s2  }
0xb: {  	[smem:$0x3FAD] =	sst s3  }
0xc: {  	[smem:$0x3FAE] =	sst s4  }
0xd: {  	[smem:$0x3FAF] =	sst s5  }
0xe: {  	[smem:$0x3FB0] =	sst s6  }
0xf: {  	[smem:$0x3FB1] =	sst s7  }
0x10: {  	[smem:$0x3FB2] =	sst s8  }
0x11: {  	[smem:$0x3FB3] =	sst s9;
	s0 =	simm.s32 @!p0 $0x0  }
0x12: {  	s1 =	sld [smem:$0x3F99];
	s0 =	simm.s32 @p0 $0x1  }
0x13: {  	[smem:$0x3FB4] =	sst s0;
	s0 =	simm.s32 @!p1 $0x0  }
0x14: {  	s2 =	sld [smem:$0x3F98];
	s0 =	simm.s32 @p1 $0x1  }
0x15: {  	[smem:$0x3FB5] =	sst s0;
	s0 =	simm.s32 @!p2 $0x0  }
0x16: {  	s3 =	sld [smem:$0x3FDB];
	s0 =	simm.s32 @p2 $0x1  }
0x17: {  	s4 =	simm.s32 $0x1BF5;
	[smem:$0x3FB7] =	sst s0  }
0x18: {  	s0 =	sld [smem:$0x3F9A];
	_ =	swait.ge [sflag:s4], $0x0  }
0x19: {  	s7 =	sld [smem:$0x3F9B]  }
0x1a: {  	s8 =	sadd.s32 $0xFFFFE003, lr  }
0x1b: {  	s9 =	sadd.s32 $0xFFFFFEF7, lr;
	s5 =	simm.s32 $0xFFFFFFFF;
	p2 =	slt.u32 s8, $0xFFFFF086  }
0x1c: {  	p1 =	slt.u32 s9, $0xF7A;
	s5 =	simm.s32 @!p2 $0x0  }
0x1d: {  	s5 =	simm.s32 @p1 $0x1;
	p0 =	seq.s32 s7, s2  }
0x1e: {  	s7 =	smul.u32 @!p0 $0xF7A, s2;
	p2 =	seq.s32 @!p0 s5, $0x0  }
0x1f: {  	s9 =	smul.u32 $0xF7A, s1;
	s8 =	simm.s32 @!p0 $0x1BF5;
	p2 =	por !p2, p0  }
0x20: {  	[sflag:s8] =	ssyncset.s32 @!p0 $0xFFFFF086;
	s6 =	sadd.s32 @!p0 s3, s7;
	s7 =	simm.s32 @!p0 $0x108  }
0x21: {  	s3 =	sadd.s32 s3, s9;
	s6 =	sadd.s32 @!p0 $0x88, s6;
	s7 =	simm.s32 @p2 $0x1082  }
0x22: {  	[simem:s7], [sflag:s8] =	dma.local @!p0 [hbm:s6], $0xF7A  }
0x23: {  	s9 =	sor.u32 $0xD0000000, s2;
	s6 =	simm.s32 $0x108;
	_ =	swait.ge @!p0 [sflag:s8], $0x0  }
0x24: {  	s3 =	sadd.s32 $0x88, s3;
	s6 =	simm.s32 @!p1 $0x1082;
	[sflag:s4] =	ssyncset.s32 $0xFFFFF086  }
0x25: {  	[simem:s6], [sflag:s4] =	dma.local [hbm:s3], $0xF7A  }
0x26: {  	[smem:$0x3F9B] =	sst s1;
	(tag) =	ssettag s2;
	_ =	strace s9  }
0x27: {  	s1 =	sld [smem:$0x3FAB]  }
0x28: {  	s2 =	sld [smem:$0x3FAC]  }
0x29: {  	s4 =	sld [smem:$0x3FAE]  }
0x2a: {  	p0 =	seq.s32 s5, $0x0;
	s5 =	sld [smem:$0x3FAF]  }
0x2b: {  	s6 =	sld [smem:$0x3FB0]  }
0x2c: {  	s7 =	sld [smem:$0x3FB1]  }
0x2d: {  	s3 =	simm.s32 $0x108;
	s8 =	sld [smem:$0x3FB2]  }
0x2e: {  	s3 =	simm.s32 @!p0 $0x1082;
	s9 =	sld [smem:$0x3FB3]  }
0x2f: {  	lr =	sadd.s32 s0, s3;
	s0 =	sld [smem:$0x3FAA]  }
0x30: {  	s3 =	sld [smem:$0x3FAD]  }
0x31: {  	[smem:$0x3FB6] =	sst s10  }
0x32: {  	s10 =	sld [smem:$0x3FB4];
	_ =	sdelay $0x3  }
0x33: {  	p0 =	seq.s32 s10, $0x1;
	s10 =	sld [smem:$0x3FB6];
	_ =	sdelay $0x3  }
0x34: {  	[smem:$0x3FB6] =	sst s10  }
0x35: {  	s10 =	sld [smem:$0x3FB5];
	_ =	sdelay $0x3  }
0x36: {  	p1 =	seq.s32 s10, $0x1;
	s10 =	sld [smem:$0x3FB6];
	_ =	sdelay $0x3  }
0x37: {  	[smem:$0x3FB6] =	sst s10  }
0x38: {  	s10 =	sld [smem:$0x3FB7]  }
0x39: {  	_ = 	snop;
	(pc) =	sbr.ind lr, $3  }
0x3a: {  	_ = 	snop  }
0x3b: {  	_ = 	snop  }
0x3c: {  	p2 =	seq.s32 s10, $0x1;
	s10 =	sld [smem:$0x3FB6]  }
0x3d: {  	_ =	shalt  }
0x3e: {  	_ =	shalt  }
0x3f: {  	_ =	shalt  }
0x40: {  	_ =	shalt  }
0x41: {  	_ =	shalt  }
0x42: {  	_ =	shalt  }
0x43: {  	_ =	shalt  }
0x44: {  	_ =	shalt  }
0x45: {  	_ =	shalt  }
0x46: {  	_ =	shalt  }
0x47: {  	_ =	shalt  }
0x48: {  	_ =	shalt  }
0x49: {  	_ =	shalt  }
0x4a: {  	_ =	shalt  }
0x4b: {  	_ =	shalt  }
0x4c: {  	_ =	shalt  }
0x4d: {  	_ =	shalt  }
0x4e: {  	_ =	shalt  }
0x4f: {  	_ =	shalt  }
0x50: {  	_ =	shalt  }
0x51: {  	_ =	shalt  }
0x52: {  	_ =	shalt  }
0x53: {  	_ =	shalt  }
0x54: {  	_ =	shalt  }
0x55: {  	_ =	shalt  }
0x56: {  	_ =	shalt  }
0x57: {  	_ =	shalt  }
0x58: {  	_ =	shalt  }
0x59: {  	_ =	shalt  }
0x5a: {  	_ =	shalt  }
0x5b: {  	_ =	shalt  }
0x5c: {  	_ =	shalt  }
0x5d: {  	_ =	shalt  }
0x5e: {  	_ =	shalt  }
0x5f: {  	_ =	shalt  }
0x60: {  	_ =	shalt  }
0x61: {  	_ =	shalt  }
0x62: {  	_ =	shalt  }
0x63: {  	_ =	shalt  }
0x64: {  	_ =	shalt  }
0x65: {  	_ =	shalt  }
0x66: {  	_ =	shalt  }
0x67: {  	_ =	shalt  }
0x68: {  	_ =	shalt  }
0x69: {  	_ =	shalt  }
0x6a: {  	_ =	shalt  }
0x6b: {  	_ =	shalt  }
0x6c: {  	_ =	shalt  }
0x6d: {  	_ =	shalt  }
0x6e: {  	_ =	shalt  }
0x6f: {  	_ =	shalt  }
0x70: {  	_ =	shalt  }
0x71: {  	_ =	shalt  }
0x72: {  	_ =	shalt  }
0x73: {  	_ =	shalt  }
0x74: {  	_ =	shalt  }
0x75: {  	_ =	shalt  }
0x76: {  	_ =	shalt  }
0x77: {  	_ =	shalt  }
0x78: {  	_ =	shalt  }
0x79: {  	_ =	shalt  }
0x7a: {  	_ =	shalt  }
0x7b: {  	_ =	shalt  }
0x7c: {  	_ =	shalt  }
0x7d: {  	_ =	shalt  }
0x7e: {  	_ =	shalt  }
0x7f: {  	_ =	shalt  }
0x80: {  	_ =	shalt  }
0x81: {  	_ =	shalt  }
0x82: {  	_ =	shalt  }
0x83: {  	_ =	shalt  }
0x84: {  	_ =	shalt  }
0x85: {  	_ =	shalt  }
0x86: {  	_ =	shalt  }
0x87: {  	_ =	shalt  }
.Lfunc_end0:
.L_simem_size_0:
called_computation.1_lowered:
.L_overlay_start_0:
0x88: {  	s2 =	sld [smem:$0x3FD9]  }
0x89: {  	s3 =	sld [smem:$0x3FFE];
	_ =	sdelay $0x1  }
0x8a: {  	s1 =	srdreg.scid  }
0x8b: {  	s0 =	sand.u32 $0x1, s1  }
0x8c: {  	s16 =	sshll.u32 s0, $0xA;
	s2 =	sadd.s32 s3, s2  }
0x8d: {  	s2 =	sadd.s32 s2, s16  }
0x8e: {  	[smem:$0x3FC2] =	sst s2  }
0x8f: {  	_ = 	snop  }
0x90: {  	(tm) =	ssettm $0x1  }
0x91: {  	s17 =	sld [smem:$0x3FFB];
	_ =	sdelay $0x3  }
0x92: {  	_ =	strace s17  }
0x93: {  	s2 =	sld [smem:$0x3FFC];
	_ =	sdelay $0x3  }
0x94: {  	_ =	strace s2  }
0x95: {  	s2 =	sld [smem:$0x3FFD];
	_ =	sdelay $0x3  }
0x96: {  	_ =	strace s2  }
0x97: {  	_ =	strace $0x8FFFFFFF  }
0x98: {  	s18 =	sld [smem:$0x3FDB];
	_ =	sdelay $0x1  }
0x99: {  	s19 =	simm.s32 $_scs_section_size  }
0x9a: {  	s4 =	simm.s32 $_size__tile_overlayer_lowered;
	s5 =	simm.s32 $_tile_overlayer_lowered  }
0x9b: {  	s22 =	simm.s32 $0x1BFF;
	s21 =	sshll.u32 s5, $0x1;
	s2 =	sadd.s32 s19, s18  }
0x9c: {  	s6 =	simm.s32 $0x0;
	s20 =	sshll.u32 s4, $0x1;
	s4 =	sadd.s32 s21, s2  }
0x9d: {  	[timem:s6], [sflag:s22] =	dma.local [hbm:s4], s20  }
0x9e: {  	_ =	swait.ge [sflag:s22], s20  }
0x9f: {  	s3 =	ssub.s32 $0x0, s20;
	[sflag:s22] =	ssyncset.done $0x0  }
0xa0: {  	[sflag:s22] =	ssyncadd.s32 s3;
	_ =	sdelay $0x1  }
0xa1: {  	s23 =	simm.s32 $0x1B8B  }
0xa2: {  	_ =	swait.ge [sflag:s23], $0x1  }
0xa3: {  	[sflag:s23] =	ssyncset.done $0x0  }
0xa4: {  	s25 =	simm.s32 $0x1B8E;
	s24 =	sld [smem:$0x3FFE];
	[sflag:s23] =	ssyncadd.s32 $0xFFFFFFFF  }
0xa5: {  	s26 =	simm.s32 $execute0_lowered;
	[smem:$0x3FD2] =	sst s25  }
0xa6: {  	s4 =	sshll.u32 s26, $0x1;
	_ =	strace $0x80000049;
	[dreg:$0x1] =	wrdreg $0xFFFFFFFF  }
0xa7: {  	s28 =	simm.s32 $_size_execute0_lowered;
	s2 =	sadd.s32 s2, s4;
	[dreg:$0x0] =	wrdreg $0x0  }
0xa8: {  	s4 =	sshll.u32 s28, $0x1;
	[dreg:$0x2] =	wrdreg s2  }
0xa9: {  	[dreg:$0x3] =	wrdreg s4  }
0xaa: {  	[dreg:$0x4] =	wrdreg $0xC0  }
0xab: {  	_ =	task [dreg:s6], $0x5FFFF  }
0xac: {  	[dreg:$0x1] =	wrdreg $0xFFFFFFFF  }
0xad: {  	[dreg:$0x0] =	wrdreg $0x60  }
0xae: {  	[dreg:$0x2] =	wrdreg s24  }
0xaf: {  	[dreg:$0x3] =	wrdreg $0x76200  }
0xb0: {  	[dreg:$0x4] =	wrdreg $0x9  }
0xb1: {  	_ =	task.clear_ibuf [dreg:s6], $0x5FFFF;
	_ =	strace $0x90000049  }
0xb2: {  	s29 =	simm.s32 $0x9;
	_ =	strace $0x8000004B  }
0xb3: {  	_ =	swait.ge [sflag:s29], $0x1  }
0xb4: {  	[sflag:s29] =	ssyncadd.s32 $0xFFFFFFFF  }
0xb5: {  	_ =	strace $0x9000004B  }
0xb6: {  	_ =	sfence  }
0xb7: {  	s30 =	sld [smem:$0x0];
	_ =	sdelay $0x2  }
0xb8: {  	s31 =	sshll.u32 s1, $0xD;
	s1 =	sshrl.u32 s1, $0x2  }
0xb9: {  	s3 =	sand.u32 $0x4000, s31;
	s1 =	sadd.s32 s1, s30  }
0xba: {  	s0 =	sor.u32 s3, s0;
	s1 =	sshll.u32 s1, $0x11  }
0xbb: {  	s0 =	sor.u32 s1, s0  }
0xbc: {  	s0 =	sadd.s32 $0x8F2B, s0  }
0xbd: {  	[sflag:s0] =	ssyncadd.remote.s32 $0x1  }
0xbe: {  	_ =	sfence.sel $0xFFFF  }
0xbf: {  	[dreg:$0x0] =	wrdreg $0xFFFFFFFF;
	(pc) =	sbr.abs _section_cstart, $3  }
0xc0: {  	[dreg:$0x1] =	wrdreg $0xFFFFFFFF  }
0xc1: {  	_ =	task.clear_ibuf [dreg:s6], $0x2FFFF;
	_ =	strace $0x9FFFFFFF  }
0xc2: {  	(tm) =	ssettm $0x7FFFFFFF  }
0xc3: {  	_ =	shalt  }
tec
execute0_lowered:
.L_overlay_start_1:
0x0: {  	(tag) =	ssettag $0x1  }
0x1: {  	s0 =	srdreg.scid;
	s7 =	rddreg [dreg:$0x0]  }
0x2: {  	s2 =	rddreg [dreg:$0x1];
	s1 =	stileid.u32;
	s3 =	simm.s32 $0x0  }
0x3: {  	s17 =	simm.s32 $0x50;
	s5 =	sand.u32 $0x1, s0;
	s0 =	rddreg [dreg:$0x2]  }
0x4: {  	s18 =	simm.s32 $0x4E20;
	s19 =	simm.s32 $0x0;
	[smem:$0x7FF] =	sst s3  }
0x5: {  	s9 =	smul.u32 $0x13800, s1;
	s11 =	sadd.s32 $0x3CE00, s7;
	s31 =	sshll.u32 s1, $0x6  }
0x6: {  	s15 =	sadd.s32 $0x138000, s2;
	p0 =	sne.s32 s1, $0xF;
	s4 =	sshll.u32 s5, $0x4  }
0x7: {  	_ =	strace $0x8000004A;
	s8 =	ssub.s32 $0x2, s5;
	s14 =	smul.u32 $0x138800, s5  }
0x8: {  	s15 =	sshrl.u32 @!p0 s15, $0x3;
	s4 =	sor.u32 s1, s4;
	s29 =	sshrl.u32 s8, $0x1  }
0x9: {  	s13 =	sadd.s32 s9, s2;
	s30 =	sshrl.u32 s9, $0x3;
	s6 =	smul.u32 $0x4E2, s4  }
0xa: {  	s4 =	sadd.s32 $0x15C00, s7;
	s12 =	ssub.s32 s8, s29;
	s9 =	sadd.s32 s9, s14  }
0xb: {  	s14 =	sshrl.u32 s14, $0x3;
	s13 =	sshrl.u32 s13, $0x3;
	s5 =	sadd.s32 s4, s30  }
0xc: {  	s16 =	sshrl.u32 s9, $0x3;
	s14 =	sadd.s32 s11, s14;
	s12 =	smax.u32 s12, $0x1  }
0xd: {  	s10 =	sadd.s32 s6, s7;
	s6 =	sor.u32 $0x1C01, s31;
	s7 =	sadd.s32 $0x3CC00, s7  }
0xe: {  	s8 =	sadd.s32 $0xBE00, s10;
	s9 =	sadd.s32 $0x2000, s10;
	s10 =	sadd.s32 s11, s16  }
0xf: {  	s11 =	sadd.s32 $0x27000, s14;
	s14 =	simm.s32 $0x1;
	s16 =	simm.s32 $0x2710  }
.LBB2_1:
0x10: {  	[spmem:s13], [sflag:s6] =	dma.local [hbm:s5], $0x2700  }
0x11: {  	_ =	swait.ge [sflag:s14], $0x2700  }
0x12: {  	[sflag:s14] =	ssyncset.done $0x0  }
0x13: {  	s20 =	simm.s32 @!p0 $0x1;
	[sflag:s14] =	ssyncadd.s32 $0xFFFFD900  }
0x14: {  	[spmem:s15], [sflag:s6] =	dma.local @!p0 [hbm:s7], $0x100  }
0x15: {  	_ =	swait.ge @!p0 [sflag:s20], $0x100  }
0x16: {  	[sflag:s20] =	ssyncset.done @!p0 $0x0  }
0x17: {  	[sflag:s20] =	ssyncadd.s32 @!p0 $0xFFFFFF00  }
0x18: {  	[tilespmem:s3], [sflag:$0x1] =	stream.linear.gather [hbm4b:s8+s3], $0x2710, $0x38;
	[tilespmem:$0x1AEA0] =	vst v63  }
0x19: {  	_ =	swait.ge [sflag:s14], $0x2710  }
0x1a: {  	[sflag:s14] =	ssyncset.done $0x0  }
0x1b: {  	[sflag:s14] =	ssyncadd.s32 $0xFFFFD8F0  }
0x1c: {  	[tilespmem:s16], [sflag:$0x1] =	stream.linear.gather [hbm4b:s9+s3], $0x2710, $0x38;
	[tilespmem:$0x1AEA0] =	vst v63  }
0x1d: {  	_ =	swait.ge [sflag:s14], $0x2710  }
0x1e: {  	[sflag:s14] =	ssyncset.done $0x0  }
0x1f: {  	[sflag:s14] =	ssyncadd.s32 $0xFFFFD8F0  }
0x20: {  	s30 =	simm.s32 $0x0;
	[bflag:$0x0] =	sbarrier.arrive $0xFFFF  }
0x21: {  	[tilespmem:s18], [sflag:$0x1] =	stream.indirect.gather [hbm4b:s4+s17], $0x80, s30, s17, $0xb8;
	[tilespmem:$0x1AEA0] =	vst v63  }
0x22: {  	_ =	swait.ge [sflag:s14], $0x2800  }
0x23: {  	[sflag:s14] =	ssyncset.done $0x0  }
0x24: {  	s31 =	simm.s32 $0x2710;
	[sflag:s14] =	ssyncadd.s32 $0xFFFFD800  }
0x25: {  	[spmem:s2] =	stream.indirect.scatter.add.f32 [tilespmem:s18], [sflag:$0x1], $0x80, s31, s17, $0xb8;
	[tilespmem:$0x1AEA0] =	vst v63  }
0x26: {  	_ =	swait.ge [sflag:s14], $0x2800  }
0x27: {  	s21 =	simm.s32 $0x280;
	s20 =	simm.s32 $0x140;
	[sflag:s14] =	ssyncset.done $0x0  }
.LBB2_2:
0x28: {  	s22 =	sshra.s32 s20, $0x2  }
0x29: {  	[sflag:s14] =	ssyncadd.s32 $0xFFFFD800;
	s20 =	smov.u32 s21;
	s23 =	sadd.s32 $0x140, s21  }
0x2a: {  	[tilespmem:s18], [sflag:$0x1] =	stream.indirect.gather [hbm4b:s4+s17], $0x80, s22, s17, $0xb8;
	[tilespmem:$0x1AEA0] =	vst v63  }
0x2b: {  	p1 =	sne.s32 s21, $0x9B00;
	_ =	swait.ge [sflag:s14], $0x2800  }
.Ltmp0:
0x2c: {  	[sflag:s14] =	ssyncset.done $0x0;
	(pc) =	sbr.rel @p1 .LBB2_2-.Ltmp0, $4  }
0x2d: {  	s21 =	sadd.s32 $0x2710, s22;
	[sflag:s14] =	ssyncadd.s32 $0xFFFFD800  }
0x2e: {  	[spmem:s2] =	stream.indirect.scatter.add.f32 [tilespmem:s18], [sflag:$0x1], $0x80, s21, s17, $0xb8;
	[tilespmem:$0x1AEA0] =	vst v63  }
0x2f: {  	_ =	swait.ge [sflag:s14], $0x2800  }
0x30: {  	s21 =	smov.u32 s23;
	[sflag:s14] =	ssyncset.done $0x0  }
0x31: {  	s20 =	sshra.s32 s20, $0x2;
	[sflag:s14] =	ssyncadd.s32 $0xFFFFD800  }
0x32: {  	[tilespmem:s18], [sflag:$0x1] =	stream.indirect.gather [hbm4b:s4+s17], $0x80, s20, s17, $0xb8;
	[tilespmem:$0x1AEA0] =	vst v63  }
0x33: {  	_ =	swait.ge [sflag:s14], $0x2800  }
0x34: {  	[sflag:s14] =	ssyncset.done $0x0  }
0x35: {  	s20 =	sadd.s32 $0x2710, s20;
	[sflag:s14] =	ssyncadd.s32 $0xFFFFD800  }
0x36: {  	[spmem:s2] =	stream.indirect.scatter.add.f32 [tilespmem:s18], [sflag:$0x1], $0x80, s20, s17, $0xb8;
	[tilespmem:$0x1AEA0] =	vst v63  }
0x37: {  	_ =	swait.ge [sflag:s14], $0x2800  }
0x38: {  	[sflag:s14] =	ssyncset.done $0x0  }
0x39: {  	[sflag:s14] =	ssyncadd.s32 $0xFFFFD800  }
0x3a: {  	[bflag:$0x0] =	sbarrier.arrive $0xFFFF  }
0x3b: {  	[hbm:s10], [sflag:s6] =	dma.local [spmem:s13], $0x2700  }
0x3c: {  	s19 =	sadd.s32 $0x1, s19;
	_ =	swait.ge [sflag:s14], $0x2700  }
0x3d: {  	p1 =	sne.s32 s19, s12;
	[sflag:s14] =	ssyncset.done $0x0  }
.Ltmp1:
0x3e: {  	s20 =	simm.s32 @!p0 $0x1;
	[sflag:s14] =	ssyncadd.s32 $0xFFFFD900;
	(pc) =	sbr.rel @p1 .LBB2_1-.Ltmp1, $4  }
0x3f: {  	[hbm:s11], [sflag:s6] =	dma.local @!p0 [spmem:s15], $0x100  }
0x40: {  	_ =	swait.ge @!p0 [sflag:s20], $0x100  }
0x41: {  	[sflag:s20] =	ssyncset.done @!p0 $0x0  }
0x42: {  	[sflag:s20] =	ssyncadd.s32 @!p0 $0xFFFFFF00  }
0x43: {  	_ =	sfence.sel $0x180000  }
0x44: {  	[bflag:$0x0] =	sbarrier.arrive $0xFFFF  }
0x45: {  	p0 =	sne.s32 s1, $0x0;
	_ =	strace $0x9000004A  }
0x46: {  	s0 =	sadd.s32 @!p0 $0x100000, s0;
	[bflag:$0x2] =	sbarrier.arrive $0xFFFF  }
0x47: {  	[sflag:s0] =	ssyncadd.tile.s32 @!p0 $0x1;
	_ =	shalt  }
.Lfunc_end2:
_tile_overlayer_lowered:
.L_overlay_start_2:
0x48: {  	(tag) =	ssettag $0x2  }
0x49: {  	s0 =	rddreg [dreg:$0x0];
	s2 =	stileid.u32  }
0x4a: {  	s1 =	rddreg [dreg:$0x1];
	p0 =	sne.s32 s2, $0x0  }
0x4b: {  	s3 =	rddreg [dreg:$0x2];
	[bflag:$0x3] =	sbarrier.arrive $0xFFFF;
	s2 =	simm.s32 @!p0 $0x1C01  }
0x4c: {  	[timem:s3], [sflag:s2] =	dma.local @!p0 [hbm:s0], s1  }
0x4d: {  	s0 =	simm.s32 @!p0 $0x1  }
0x4e: {  	_ =	swait.ge @!p0 [sflag:s0], s1  }
0x4f: {  	s1 =	ssub.s32 @!p0 $0x0, s1;
	[sflag:s0] =	ssyncset.done @!p0 $0x0  }
0x50: {  	[sflag:s0] =	ssyncadd.s32 @!p0 s1  }
0x51: {  	[bflag:$0x3] =	sbarrier.arrive $0xFFFF  }
0x52: {  	_ =	shalt  }

// kernel: kernel.14.cloned.1.call-start
scs
__scs_entry_jumppad:
0x0: {  	(pc) =	sbr.rel $0x88, $3  }
0x1: {  	(tag) =	ssettag $0x0;
	lr =	simm.s32 $0x1  }
0x2: {  	[smem:$0x3F9B] =	sst lr;
	_ =	strace $0xD0000000  }
0x3: {  	_ = 	snop  }
0x4: {  	_ = 	snop  }
0x5: {  	_ = 	snop  }
0x6: {  	_ = 	snop  }
0x7: {  	_ = 	snop  }
__scs_overlays_trampoline_lowered:
0x8: {  	[smem:$0x3FAA] =	sst s0  }
0x9: {  	[smem:$0x3FAB] =	sst s1  }
0xa: {  	[smem:$0x3FAC] =	sst s2  }
0xb: {  	[smem:$0x3FAD] =	sst s3  }
0xc: {  	[smem:$0x3FAE] =	sst s4  }
0xd: {  	[smem:$0x3FAF] =	sst s5  }
0xe: {  	[smem:$0x3FB0] =	sst s6  }
0xf: {  	[smem:$0x3FB1] =	sst s7  }
0x10: {  	[smem:$0x3FB2] =	sst s8  }
0x11: {  	[smem:$0x3FB3] =	sst s9;
	s0 =	simm.s32 @!p0 $0x0  }
0x12: {  	s1 =	sld [smem:$0x3F99];
	s0 =	simm.s32 @p0 $0x1  }
0x13: {  	[smem:$0x3FB4] =	sst s0;
	s0 =	simm.s32 @!p1 $0x0  }
0x14: {  	s2 =	sld [smem:$0x3F98];
	s0 =	simm.s32 @p1 $0x1  }
0x15: {  	[smem:$0x3FB5] =	sst s0;
	s0 =	simm.s32 @!p2 $0x0  }
0x16: {  	s3 =	sld [smem:$0x3FDB];
	s0 =	simm.s32 @p2 $0x1  }
0x17: {  	s4 =	simm.s32 $0x1BF5;
	[smem:$0x3FB7] =	sst s0  }
0x18: {  	s0 =	sld [smem:$0x3F9A];
	_ =	swait.ge [sflag:s4], $0x0  }
0x19: {  	s7 =	sld [smem:$0x3F9B]  }
0x1a: {  	s8 =	sadd.s32 $0xFFFFE003, lr  }
0x1b: {  	s9 =	sadd.s32 $0xFFFFFEF7, lr;
	s5 =	simm.s32 $0xFFFFFFFF;
	p2 =	slt.u32 s8, $0xFFFFF086  }
0x1c: {  	p1 =	slt.u32 s9, $0xF7A;
	s5 =	simm.s32 @!p2 $0x0  }
0x1d: {  	s5 =	simm.s32 @p1 $0x1;
	p0 =	seq.s32 s7, s2  }
0x1e: {  	s7 =	smul.u32 @!p0 $0xF7A, s2;
	p2 =	seq.s32 @!p0 s5, $0x0  }
0x1f: {  	s9 =	smul.u32 $0xF7A, s1;
	s8 =	simm.s32 @!p0 $0x1BF5;
	p2 =	por !p2, p0  }
0x20: {  	[sflag:s8] =	ssyncset.s32 @!p0 $0xFFFFF086;
	s6 =	sadd.s32 @!p0 s3, s7;
	s7 =	simm.s32 @!p0 $0x108  }
0x21: {  	s3 =	sadd.s32 s3, s9;
	s6 =	sadd.s32 @!p0 $0x88, s6;
	s7 =	simm.s32 @p2 $0x1082  }
0x22: {  	[simem:s7], [sflag:s8] =	dma.local @!p0 [hbm:s6], $0xF7A  }
0x23: {  	s9 =	sor.u32 $0xD0000000, s2;
	s6 =	simm.s32 $0x108;
	_ =	swait.ge @!p0 [sflag:s8], $0x0  }
0x24: {  	s3 =	sadd.s32 $0x88, s3;
	s6 =	simm.s32 @!p1 $0x1082;
	[sflag:s4] =	ssyncset.s32 $0xFFFFF086  }
0x25: {  	[simem:s6], [sflag:s4] =	dma.local [hbm:s3], $0xF7A  }
0x26: {  	[smem:$0x3F9B] =	sst s1;
	(tag) =	ssettag s2;
	_ =	strace s9  }
0x27: {  	s1 =	sld [smem:$0x3FAB]  }
0x28: {  	s2 =	sld [smem:$0x3FAC]  }
0x29: {  	s4 =	sld [smem:$0x3FAE]  }
0x2a: {  	p0 =	seq.s32 s5, $0x0;
	s5 =	sld [smem:$0x3FAF]  }
0x2b: {  	s6 =	sld [smem:$0x3FB0]  }
0x2c: {  	s7 =	sld [smem:$0x3FB1]  }
0x2d: {  	s3 =	simm.s32 $0x108;
	s8 =	sld [smem:$0x3FB2]  }
0x2e: {  	s3 =	simm.s32 @!p0 $0x1082;
	s9 =	sld [smem:$0x3FB3]  }
0x2f: {  	lr =	sadd.s32 s0, s3;
	s0 =	sld [smem:$0x3FAA]  }
0x30: {  	s3 =	sld [smem:$0x3FAD]  }
0x31: {  	[smem:$0x3FB6] =	sst s10  }
0x32: {  	s10 =	sld [smem:$0x3FB4];
	_ =	sdelay $0x3  }
0x33: {  	p0 =	seq.s32 s10, $0x1;
	s10 =	sld [smem:$0x3FB6];
	_ =	sdelay $0x3  }
0x34: {  	[smem:$0x3FB6] =	sst s10  }
0x35: {  	s10 =	sld [smem:$0x3FB5];
	_ =	sdelay $0x3  }
0x36: {  	p1 =	seq.s32 s10, $0x1;
	s10 =	sld [smem:$0x3FB6];
	_ =	sdelay $0x3  }
0x37: {  	[smem:$0x3FB6] =	sst s10  }
0x38: {  	s10 =	sld [smem:$0x3FB7]  }
0x39: {  	_ = 	snop;
	(pc) =	sbr.ind lr, $3  }
0x3a: {  	_ = 	snop  }
0x3b: {  	_ = 	snop  }
0x3c: {  	p2 =	seq.s32 s10, $0x1;
	s10 =	sld [smem:$0x3FB6]  }
0x3d: {  	_ =	shalt  }
0x3e: {  	_ =	shalt  }
0x3f: {  	_ =	shalt  }
0x40: {  	_ =	shalt  }
0x41: {  	_ =	shalt  }
0x42: {  	_ =	shalt  }
0x43: {  	_ =	shalt  }
0x44: {  	_ =	shalt  }
0x45: {  	_ =	shalt  }
0x46: {  	_ =	shalt  }
0x47: {  	_ =	shalt  }
0x48: {  	_ =	shalt  }
0x49: {  	_ =	shalt  }
0x4a: {  	_ =	shalt  }
0x4b: {  	_ =	shalt  }
0x4c: {  	_ =	shalt  }
0x4d: {  	_ =	shalt  }
0x4e: {  	_ =	shalt  }
0x4f: {  	_ =	shalt  }
0x50: {  	_ =	shalt  }
0x51: {  	_ =	shalt  }
0x52: {  	_ =	shalt  }
0x53: {  	_ =	shalt  }
0x54: {  	_ =	shalt  }
0x55: {  	_ =	shalt  }
0x56: {  	_ =	shalt  }
0x57: {  	_ =	shalt  }
0x58: {  	_ =	shalt  }
0x59: {  	_ =	shalt  }
0x5a: {  	_ =	shalt  }
0x5b: {  	_ =	shalt  }
0x5c: {  	_ =	shalt  }
0x5d: {  	_ =	shalt  }
0x5e: {  	_ =	shalt  }
0x5f: {  	_ =	shalt  }
0x60: {  	_ =	shalt  }
0x61: {  	_ =	shalt  }
0x62: {  	_ =	shalt  }
0x63: {  	_ =	shalt  }
0x64: {  	_ =	shalt  }
0x65: {  	_ =	shalt  }
0x66: {  	_ =	shalt  }
0x67: {  	_ =	shalt  }
0x68: {  	_ =	shalt  }
0x69: {  	_ =	shalt  }
0x6a: {  	_ =	shalt  }
0x6b: {  	_ =	shalt  }
0x6c: {  	_ =	shalt  }
0x6d: {  	_ =	shalt  }
0x6e: {  	_ =	shalt  }
0x6f: {  	_ =	shalt  }
0x70: {  	_ =	shalt  }
0x71: {  	_ =	shalt  }
0x72: {  	_ =	shalt  }
0x73: {  	_ =	shalt  }
0x74: {  	_ =	shalt  }
0x75: {  	_ =	shalt  }
0x76: {  	_ =	shalt  }
0x77: {  	_ =	shalt  }
0x78: {  	_ =	shalt  }
0x79: {  	_ =	shalt  }
0x7a: {  	_ =	shalt  }
0x7b: {  	_ =	shalt  }
0x7c: {  	_ =	shalt  }
0x7d: {  	_ =	shalt  }
0x7e: {  	_ =	shalt  }
0x7f: {  	_ =	shalt  }
0x80: {  	_ =	shalt  }
0x81: {  	_ =	shalt  }
0x82: {  	_ =	shalt  }
0x83: {  	_ =	shalt  }
0x84: {  	_ =	shalt  }
0x85: {  	_ =	shalt  }
0x86: {  	_ =	shalt  }
0x87: {  	_ =	shalt  }
.Lfunc_end0:
.L_simem_size_0:
called_computation.2_lowered:
.L_overlay_start_0:
0x88: {  	s2 =	sld [smem:$0x3FD9]  }
0x89: {  	s3 =	sld [smem:$0x3FFE];
	_ =	sdelay $0x1  }
0x8a: {  	s1 =	srdreg.scid  }
0x8b: {  	s0 =	sand.u32 $0x1, s1  }
0x8c: {  	s16 =	sshll.u32 s0, $0xA;
	s2 =	sadd.s32 s3, s2  }
0x8d: {  	s2 =	sadd.s32 s2, s16  }
0x8e: {  	[smem:$0x3FC2] =	sst s2  }
0x8f: {  	_ = 	snop  }
0x90: {  	(tm) =	ssettm $0x1  }
0x91: {  	s17 =	sld [smem:$0x3FFB];
	_ =	sdelay $0x3  }
0x92: {  	_ =	strace s17  }
0x93: {  	s2 =	sld [smem:$0x3FFC];
	_ =	sdelay $0x3  }
0x94: {  	_ =	strace s2  }
0x95: {  	s2 =	sld [smem:$0x3FFD];
	_ =	sdelay $0x3  }
0x96: {  	_ =	strace s2  }
0x97: {  	_ =	strace $0x8FFFFFFF  }
0x98: {  	s18 =	sld [smem:$0x3FDB];
	_ =	sdelay $0x1  }
0x99: {  	s19 =	simm.s32 $_scs_section_size  }
0x9a: {  	s4 =	simm.s32 $_size__tile_overlayer_lowered;
	s5 =	simm.s32 $_tile_overlayer_lowered  }
0x9b: {  	s22 =	simm.s32 $0x1BFF;
	s21 =	sshll.u32 s5, $0x1;
	s2 =	sadd.s32 s19, s18  }
0x9c: {  	s6 =	simm.s32 $0x0;
	s20 =	sshll.u32 s4, $0x1;
	s4 =	sadd.s32 s21, s2  }
0x9d: {  	[timem:s6], [sflag:s22] =	dma.local [hbm:s4], s20  }
0x9e: {  	_ =	swait.ge [sflag:s22], s20  }
0x9f: {  	s3 =	ssub.s32 $0x0, s20;
	[sflag:s22] =	ssyncset.done $0x0  }
0xa0: {  	[sflag:s22] =	ssyncadd.s32 s3;
	_ =	sdelay $0x1  }
0xa1: {  	s23 =	simm.s32 $0x1B8B  }
0xa2: {  	_ =	swait.ge [sflag:s23], $0x1  }
0xa3: {  	[sflag:s23] =	ssyncset.done $0x0  }
0xa4: {  	s25 =	simm.s32 $0x1B8E;
	s24 =	sld [smem:$0x3FFE];
	[sflag:s23] =	ssyncadd.s32 $0xFFFFFFFF  }
0xa5: {  	s26 =	simm.s32 $execute0_lowered;
	[smem:$0x3FD2] =	sst s25  }
0xa6: {  	s4 =	sshll.u32 s26, $0x1;
	_ =	strace $0x8000004C;
	[dreg:$0x1] =	wrdreg $0xFFFFFFFF  }
0xa7: {  	s28 =	simm.s32 $_size_execute0_lowered;
	s2 =	sadd.s32 s2, s4;
	[dreg:$0x0] =	wrdreg $0x0  }
0xa8: {  	s4 =	sshll.u32 s28, $0x1;
	[dreg:$0x2] =	wrdreg s2  }
0xa9: {  	[dreg:$0x3] =	wrdreg s4  }
0xaa: {  	[dreg:$0x4] =	wrdreg $0xC0  }
0xab: {  	_ =	task [dreg:s6], $0x5FFFF  }
0xac: {  	[dreg:$0x1] =	wrdreg $0xFFFFFFFF  }
0xad: {  	[dreg:$0x0] =	wrdreg $0x60  }
0xae: {  	[dreg:$0x2] =	wrdreg s24  }
0xaf: {  	[dreg:$0x3] =	wrdreg $0x53200  }
0xb0: {  	[dreg:$0x4] =	wrdreg $0x9  }
0xb1: {  	_ =	task.clear_ibuf [dreg:s6], $0x5FFFF;
	_ =	strace $0x9000004C  }
0xb2: {  	s29 =	simm.s32 $0x9;
	_ =	strace $0x8000004E  }
0xb3: {  	_ =	swait.ge [sflag:s29], $0x1  }
0xb4: {  	[sflag:s29] =	ssyncadd.s32 $0xFFFFFFFF  }
0xb5: {  	_ =	strace $0x9000004E  }
0xb6: {  	_ =	sfence  }
0xb7: {  	s30 =	sld [smem:$0x0];
	_ =	sdelay $0x2  }
0xb8: {  	s31 =	sshll.u32 s1, $0xD;
	s1 =	sshrl.u32 s1, $0x2  }
0xb9: {  	s3 =	sand.u32 $0x4000, s31;
	s1 =	sadd.s32 s1, s30  }
0xba: {  	s0 =	sor.u32 s3, s0;
	s1 =	sshll.u32 s1, $0x11  }
0xbb: {  	s0 =	sor.u32 s1, s0  }
0xbc: {  	s0 =	sadd.s32 $0x8F2B, s0  }
0xbd: {  	[sflag:s0] =	ssyncadd.remote.s32 $0x1  }
0xbe: {  	_ =	sfence.sel $0xFFFF  }
0xbf: {  	[dreg:$0x0] =	wrdreg $0xFFFFFFFF;
	(pc) =	sbr.abs _section_cstart, $3  }
0xc0: {  	[dreg:$0x1] =	wrdreg $0xFFFFFFFF  }
0xc1: {  	_ =	task.clear_ibuf [dreg:s6], $0x2FFFF;
	_ =	strace $0x9FFFFFFF  }
0xc2: {  	(tm) =	ssettm $0x7FFFFFFF  }
0xc3: {  	_ =	shalt  }
tec
execute0_lowered:
.L_overlay_start_1:
0x0: {  	(tag) =	ssettag $0x1  }
0x1: {  	s0 =	srdreg.scid;
	s7 =	rddreg [dreg:$0x0]  }
0x2: {  	s2 =	rddreg [dreg:$0x1];
	s1 =	stileid.u32;
	s3 =	simm.s32 $0x0  }
0x3: {  	s17 =	simm.s32 $0x50;
	s5 =	sand.u32 $0x1, s0;
	s0 =	rddreg [dreg:$0x2]  }
0x4: {  	s18 =	simm.s32 $0x4E20;
	s19 =	simm.s32 $0x0;
	[smem:$0x7FF] =	sst s3  }
0x5: {  	s9 =	smul.u32 $0x2700, s1;
	s11 =	sadd.s32 $0x1AC00, s7;
	s31 =	sshll.u32 s1, $0x6  }
0x6: {  	s15 =	sadd.s32 $0x27000, s2;
	p0 =	sne.s32 s1, $0xF;
	s4 =	sshll.u32 s5, $0x4  }
0x7: {  	_ =	strace $0x8000004D;
	s8 =	ssub.s32 $0x2, s5;
	s14 =	smul.u32 $0x27100, s5  }
0x8: {  	s15 =	sshrl.u32 @!p0 s15, $0x3;
	s4 =	sor.u32 s1, s4;
	s29 =	sshrl.u32 s8, $0x1  }
0x9: {  	s13 =	sadd.s32 s9, s2;
	s30 =	sshrl.u32 s9, $0x3;
	s6 =	smul.u32 $0x4E2, s4  }
0xa: {  	s4 =	sadd.s32 $0x15C00, s7;
	s12 =	ssub.s32 s8, s29;
	s9 =	sadd.s32 s9, s14  }
0xb: {  	s14 =	sshrl.u32 s14, $0x3;
	s13 =	sshrl.u32 s13, $0x3;
	s5 =	sadd.s32 s4, s30  }
0xc: {  	s16 =	sshrl.u32 s9, $0x3;
	s14 =	sadd.s32 s11, s14;
	s12 =	smax.u32 s12, $0x1  }
0xd: {  	s10 =	sadd.s32 s6, s7;
	s6 =	sor.u32 $0x1C01, s31;
	s7 =	sadd.s32 $0x1AA00, s7  }
0xe: {  	s8 =	sadd.s32 $0xBE00, s10;
	s9 =	sadd.s32 $0x2000, s10;
	s10 =	sadd.s32 s11, s16  }
0xf: {  	s11 =	sadd.s32 $0x4E00, s14;
	s14 =	simm.s32 $0x1;
	s16 =	simm.s32 $0x2710  }
.LBB2_1:
0x10: {  	[spmem:s13], [sflag:s6] =	dma.local [hbm:s5], $0x4E0  }
0x11: {  	_ =	swait.ge [sflag:s14], $0x4E0  }
0x12: {  	[sflag:s14] =	ssyncset.done $0x0  }
0x13: {  	s20 =	simm.s32 @!p0 $0x1;
	[sflag:s14] =	ssyncadd.s32 $0xFFFFFB20  }
0x14: {  	[spmem:s15], [sflag:s6] =	dma.local @!p0 [hbm:s7], $0x20  }
0x15: {  	_ =	swait.ge @!p0 [sflag:s20], $0x20  }
0x16: {  	[sflag:s20] =	ssyncset.done @!p0 $0x0  }
0x17: {  	[sflag:s20] =	ssyncadd.s32 @!p0 $0xFFFFFFE0  }
0x18: {  	[tilespmem:s3], [sflag:$0x1] =	stream.linear.gather [hbm4b:s8+s3], $0x2710, $0x38;
	[tilespmem:$0x7A30] =	vst v63  }
0x19: {  	_ =	swait.ge [sflag:s14], $0x2710  }
0x1a: {  	[sflag:s14] =	ssyncset.done $0x0  }
0x1b: {  	[sflag:s14] =	ssyncadd.s32 $0xFFFFD8F0  }
0x1c: {  	[tilespmem:s16], [sflag:$0x1] =	stream.linear.gather [hbm4b:s9+s3], $0x2710, $0x38;
	[tilespmem:$0x7A30] =	vst v63  }
0x1d: {  	_ =	swait.ge [sflag:s14], $0x2710  }
0x1e: {  	[sflag:s14] =	ssyncset.done $0x0  }
0x1f: {  	[sflag:s14] =	ssyncadd.s32 $0xFFFFD8F0  }
0x20: {  	s30 =	simm.s32 $0x0;
	[bflag:$0x0] =	sbarrier.arrive $0xFFFF  }
0x21: {  	[tilespmem:s18], [sflag:$0x1] =	stream.indirect.gather [hbm4b:s4+s17], $0x10, s30, s17, $0xb8;
	[tilespmem:$0x7A30] =	vst v63  }
0x22: {  	_ =	swait.ge [sflag:s14], $0x500  }
0x23: {  	[sflag:s14] =	ssyncset.done $0x0  }
0x24: {  	s31 =	simm.s32 $0x2710;
	[sflag:s14] =	ssyncadd.s32 $0xFFFFFB00  }
0x25: {  	[spmem:s2] =	stream.indirect.scatter.add.f32 [tilespmem:s18], [sflag:$0x1], $0x10, s31, s17, $0xb8;
	[tilespmem:$0x7A30] =	vst v63  }
0x26: {  	_ =	swait.ge [sflag:s14], $0x500  }
0x27: {  	s21 =	simm.s32 $0x280;
	s20 =	simm.s32 $0x140;
	[sflag:s14] =	ssyncset.done $0x0  }
.LBB2_2:
0x28: {  	s22 =	sshra.s32 s20, $0x2  }
0x29: {  	[sflag:s14] =	ssyncadd.s32 $0xFFFFFB00;
	s20 =	smov.u32 s21;
	s23 =	sadd.s32 $0x140, s21  }
0x2a: {  	[tilespmem:s18], [sflag:$0x1] =	stream.indirect.gather [hbm4b:s4+s17], $0x10, s22, s17, $0xb8;
	[tilespmem:$0x7A30] =	vst v63  }
0x2b: {  	p1 =	sne.s32 s21, $0x9B00;
	_ =	swait.ge [sflag:s14], $0x500  }
.Ltmp0:
0x2c: {  	[sflag:s14] =	ssyncset.done $0x0;
	(pc) =	sbr.rel @p1 .LBB2_2-.Ltmp0, $4  }
0x2d: {  	s21 =	sadd.s32 $0x2710, s22;
	[sflag:s14] =	ssyncadd.s32 $0xFFFFFB00  }
0x2e: {  	[spmem:s2] =	stream.indirect.scatter.add.f32 [tilespmem:s18], [sflag:$0x1], $0x10, s21, s17, $0xb8;
	[tilespmem:$0x7A30] =	vst v63  }
0x2f: {  	_ =	swait.ge [sflag:s14], $0x500  }
0x30: {  	s21 =	smov.u32 s23;
	[sflag:s14] =	ssyncset.done $0x0  }
0x31: {  	s20 =	sshra.s32 s20, $0x2;
	[sflag:s14] =	ssyncadd.s32 $0xFFFFFB00  }
0x32: {  	[tilespmem:s18], [sflag:$0x1] =	stream.indirect.gather [hbm4b:s4+s17], $0x10, s20, s17, $0xb8;
	[tilespmem:$0x7A30] =	vst v63  }
0x33: {  	_ =	swait.ge [sflag:s14], $0x500  }
0x34: {  	[sflag:s14] =	ssyncset.done $0x0  }
0x35: {  	s20 =	sadd.s32 $0x2710, s20;
	[sflag:s14] =	ssyncadd.s32 $0xFFFFFB00  }
0x36: {  	[spmem:s2] =	stream.indirect.scatter.add.f32 [tilespmem:s18], [sflag:$0x1], $0x10, s20, s17, $0xb8;
	[tilespmem:$0x7A30] =	vst v63  }
0x37: {  	_ =	swait.ge [sflag:s14], $0x500  }
0x38: {  	[sflag:s14] =	ssyncset.done $0x0  }
0x39: {  	[sflag:s14] =	ssyncadd.s32 $0xFFFFFB00  }
0x3a: {  	[bflag:$0x0] =	sbarrier.arrive $0xFFFF  }
0x3b: {  	[hbm:s10], [sflag:s6] =	dma.local [spmem:s13], $0x4E0  }
0x3c: {  	s19 =	sadd.s32 $0x1, s19;
	_ =	swait.ge [sflag:s14], $0x4E0  }
0x3d: {  	p1 =	sne.s32 s19, s12;
	[sflag:s14] =	ssyncset.done $0x0  }
.Ltmp1:
0x3e: {  	s20 =	simm.s32 @!p0 $0x1;
	[sflag:s14] =	ssyncadd.s32 $0xFFFFFB20;
	(pc) =	sbr.rel @p1 .LBB2_1-.Ltmp1, $4  }
0x3f: {  	[hbm:s11], [sflag:s6] =	dma.local @!p0 [spmem:s15], $0x20  }
0x40: {  	_ =	swait.ge @!p0 [sflag:s20], $0x20  }
0x41: {  	[sflag:s20] =	ssyncset.done @!p0 $0x0  }
0x42: {  	[sflag:s20] =	ssyncadd.s32 @!p0 $0xFFFFFFE0  }
0x43: {  	_ =	sfence.sel $0x180000  }
0x44: {  	[bflag:$0x0] =	sbarrier.arrive $0xFFFF  }
0x45: {  	p0 =	sne.s32 s1, $0x0;
	_ =	strace $0x9000004D  }
0x46: {  	s0 =	sadd.s32 @!p0 $0x100000, s0;
	[bflag:$0x2] =	sbarrier.arrive $0xFFFF  }
0x47: {  	[sflag:s0] =	ssyncadd.tile.s32 @!p0 $0x1;
	_ =	shalt  }
.Lfunc_end2:
_tile_overlayer_lowered:
.L_overlay_start_2:
0x48: {  	(tag) =	ssettag $0x2  }
0x49: {  	s0 =	rddreg [dreg:$0x0];
	s2 =	stileid.u32  }
0x4a: {  	s1 =	rddreg [dreg:$0x1];
	p0 =	sne.s32 s2, $0x0  }
0x4b: {  	s3 =	rddreg [dreg:$0x2];
	[bflag:$0x3] =	sbarrier.arrive $0xFFFF;
	s2 =	simm.s32 @!p0 $0x1C01  }
0x4c: {  	[timem:s3], [sflag:s2] =	dma.local @!p0 [hbm:s0], s1  }
0x4d: {  	s0 =	simm.s32 @!p0 $0x1  }
0x4e: {  	_ =	swait.ge @!p0 [sflag:s0], s1  }
0x4f: {  	s1 =	ssub.s32 @!p0 $0x0, s1;
	[sflag:s0] =	ssyncset.done @!p0 $0x0  }
0x50: {  	[sflag:s0] =	ssyncadd.s32 @!p0 s1  }
0x51: {  	[bflag:$0x3] =	sbarrier.arrive $0xFFFF  }
0x52: {  	_ =	shalt  }

// kernel: kernel.8.cloned.1.call-start
scs
__scs_entry_jumppad:
0x0: {  	(pc) =	sbr.rel $0x88, $3  }
0x1: {  	(tag) =	ssettag $0x0;
	lr =	simm.s32 $0x1  }
0x2: {  	[smem:$0x3F9B] =	sst lr;
	_ =	strace $0xD0000000  }
0x3: {  	_ = 	snop  }
0x4: {  	_ = 	snop  }
0x5: {  	_ = 	snop  }
0x6: {  	_ = 	snop  }
0x7: {  	_ = 	snop  }
__scs_overlays_trampoline_lowered:
0x8: {  	[smem:$0x3FAA] =	sst s0  }
0x9: {  	[smem:$0x3FAB] =	sst s1  }
0xa: {  	[smem:$0x3FAC] =	sst s2  }
0xb: {  	[smem:$0x3FAD] =	sst s3  }
0xc: {  	[smem:$0x3FAE] =	sst s4  }
0xd: {  	[smem:$0x3FAF] =	sst s5  }
0xe: {  	[smem:$0x3FB0] =	sst s6  }
0xf: {  	[smem:$0x3FB1] =	sst s7  }
0x10: {  	[smem:$0x3FB2] =	sst s8  }
0x11: {  	[smem:$0x3FB3] =	sst s9;
	s0 =	simm.s32 @!p0 $0x0  }
0x12: {  	s1 =	sld [smem:$0x3F99];
	s0 =	simm.s32 @p0 $0x1  }
0x13: {  	[smem:$0x3FB4] =	sst s0;
	s0 =	simm.s32 @!p1 $0x0  }
0x14: {  	s2 =	sld [smem:$0x3F98];
	s0 =	simm.s32 @p1 $0x1  }
0x15: {  	[smem:$0x3FB5] =	sst s0;
	s0 =	simm.s32 @!p2 $0x0  }
0x16: {  	s3 =	sld [smem:$0x3FDB];
	s0 =	simm.s32 @p2 $0x1  }
0x17: {  	s4 =	simm.s32 $0x1BF5;
	[smem:$0x3FB7] =	sst s0  }
0x18: {  	s0 =	sld [smem:$0x3F9A];
	_ =	swait.ge [sflag:s4], $0x0  }
0x19: {  	s7 =	sld [smem:$0x3F9B]  }
0x1a: {  	s8 =	sadd.s32 $0xFFFFE003, lr  }
0x1b: {  	s9 =	sadd.s32 $0xFFFFFEF7, lr;
	s5 =	simm.s32 $0xFFFFFFFF;
	p2 =	slt.u32 s8, $0xFFFFF086  }
0x1c: {  	p1 =	slt.u32 s9, $0xF7A;
	s5 =	simm.s32 @!p2 $0x0  }
0x1d: {  	s5 =	simm.s32 @p1 $0x1;
	p0 =	seq.s32 s7, s2  }
0x1e: {  	s7 =	smul.u32 @!p0 $0xF7A, s2;
	p2 =	seq.s32 @!p0 s5, $0x0  }
0x1f: {  	s9 =	smul.u32 $0xF7A, s1;
	s8 =	simm.s32 @!p0 $0x1BF5;
	p2 =	por !p2, p0  }
0x20: {  	[sflag:s8] =	ssyncset.s32 @!p0 $0xFFFFF086;
	s6 =	sadd.s32 @!p0 s3, s7;
	s7 =	simm.s32 @!p0 $0x108  }
0x21: {  	s3 =	sadd.s32 s3, s9;
	s6 =	sadd.s32 @!p0 $0x88, s6;
	s7 =	simm.s32 @p2 $0x1082  }
0x22: {  	[simem:s7], [sflag:s8] =	dma.local @!p0 [hbm:s6], $0xF7A  }
0x23: {  	s9 =	sor.u32 $0xD0000000, s2;
	s6 =	simm.s32 $0x108;
	_ =	swait.ge @!p0 [sflag:s8], $0x0  }
0x24: {  	s3 =	sadd.s32 $0x88, s3;
	s6 =	simm.s32 @!p1 $0x1082;
	[sflag:s4] =	ssyncset.s32 $0xFFFFF086  }
0x25: {  	[simem:s6], [sflag:s4] =	dma.local [hbm:s3], $0xF7A  }
0x26: {  	[smem:$0x3F9B] =	sst s1;
	(tag) =	ssettag s2;
	_ =	strace s9  }
0x27: {  	s1 =	sld [smem:$0x3FAB]  }
0x28: {  	s2 =	sld [smem:$0x3FAC]  }
0x29: {  	s4 =	sld [smem:$0x3FAE]  }
0x2a: {  	p0 =	seq.s32 s5, $0x0;
	s5 =	sld [smem:$0x3FAF]  }
0x2b: {  	s6 =	sld [smem:$0x3FB0]  }
0x2c: {  	s7 =	sld [smem:$0x3FB1]  }
0x2d: {  	s3 =	simm.s32 $0x108;
	s8 =	sld [smem:$0x3FB2]  }
0x2e: {  	s3 =	simm.s32 @!p0 $0x1082;
	s9 =	sld [smem:$0x3FB3]  }
0x2f: {  	lr =	sadd.s32 s0, s3;
	s0 =	sld [smem:$0x3FAA]  }
0x30: {  	s3 =	sld [smem:$0x3FAD]  }
0x31: {  	[smem:$0x3FB6] =	sst s10  }
0x32: {  	s10 =	sld [smem:$0x3FB4];
	_ =	sdelay $0x3  }
0x33: {  	p0 =	seq.s32 s10, $0x1;
	s10 =	sld [smem:$0x3FB6];
	_ =	sdelay $0x3  }
0x34: {  	[smem:$0x3FB6] =	sst s10  }
0x35: {  	s10 =	sld [smem:$0x3FB5];
	_ =	sdelay $0x3  }
0x36: {  	p1 =	seq.s32 s10, $0x1;
	s10 =	sld [smem:$0x3FB6];
	_ =	sdelay $0x3  }
0x37: {  	[smem:$0x3FB6] =	sst s10  }
0x38: {  	s10 =	sld [smem:$0x3FB7]  }
0x39: {  	_ = 	snop;
	(pc) =	sbr.ind lr, $3  }
0x3a: {  	_ = 	snop  }
0x3b: {  	_ = 	snop  }
0x3c: {  	p2 =	seq.s32 s10, $0x1;
	s10 =	sld [smem:$0x3FB6]  }
0x3d: {  	_ =	shalt  }
0x3e: {  	_ =	shalt  }
0x3f: {  	_ =	shalt  }
0x40: {  	_ =	shalt  }
0x41: {  	_ =	shalt  }
0x42: {  	_ =	shalt  }
0x43: {  	_ =	shalt  }
0x44: {  	_ =	shalt  }
0x45: {  	_ =	shalt  }
0x46: {  	_ =	shalt  }
0x47: {  	_ =	shalt  }
0x48: {  	_ =	shalt  }
0x49: {  	_ =	shalt  }
0x4a: {  	_ =	shalt  }
0x4b: {  	_ =	shalt  }
0x4c: {  	_ =	shalt  }
0x4d: {  	_ =	shalt  }
0x4e: {  	_ =	shalt  }
0x4f: {  	_ =	shalt  }
0x50: {  	_ =	shalt  }
0x51: {  	_ =	shalt  }
0x52: {  	_ =	shalt  }
0x53: {  	_ =	shalt  }
0x54: {  	_ =	shalt  }
0x55: {  	_ =	shalt  }
0x56: {  	_ =	shalt  }
0x57: {  	_ =	shalt  }
0x58: {  	_ =	shalt  }
0x59: {  	_ =	shalt  }
0x5a: {  	_ =	shalt  }
0x5b: {  	_ =	shalt  }
0x5c: {  	_ =	shalt  }
0x5d: {  	_ =	shalt  }
0x5e: {  	_ =	shalt  }
0x5f: {  	_ =	shalt  }
0x60: {  	_ =	shalt  }
0x61: {  	_ =	shalt  }
0x62: {  	_ =	shalt  }
0x63: {  	_ =	shalt  }
0x64: {  	_ =	shalt  }
0x65: {  	_ =	shalt  }
0x66: {  	_ =	shalt  }
0x67: {  	_ =	shalt  }
0x68: {  	_ =	shalt  }
0x69: {  	_ =	shalt  }
0x6a: {  	_ =	shalt  }
0x6b: {  	_ =	shalt  }
0x6c: {  	_ =	shalt  }
0x6d: {  	_ =	shalt  }
0x6e: {  	_ =	shalt  }
0x6f: {  	_ =	shalt  }
0x70: {  	_ =	shalt  }
0x71: {  	_ =	shalt  }
0x72: {  	_ =	shalt  }
0x73: {  	_ =	shalt  }
0x74: {  	_ =	shalt  }
0x75: {  	_ =	shalt  }
0x76: {  	_ =	shalt  }
0x77: {  	_ =	shalt  }
0x78: {  	_ =	shalt  }
0x79: {  	_ =	shalt  }
0x7a: {  	_ =	shalt  }
0x7b: {  	_ =	shalt  }
0x7c: {  	_ =	shalt  }
0x7d: {  	_ =	shalt  }
0x7e: {  	_ =	shalt  }
0x7f: {  	_ =	shalt  }
0x80: {  	_ =	shalt  }
0x81: {  	_ =	shalt  }
0x82: {  	_ =	shalt  }
0x83: {  	_ =	shalt  }
0x84: {  	_ =	shalt  }
0x85: {  	_ =	shalt  }
0x86: {  	_ =	shalt  }
0x87: {  	_ =	shalt  }
.Lfunc_end0:
.L_simem_size_0:
called_computation_lowered:
.L_overlay_start_0:
0x88: {  	s2 =	sld [smem:$0x3FD9]  }
0x89: {  	s3 =	sld [smem:$0x3FFE];
	_ =	sdelay $0x1  }
0x8a: {  	s1 =	srdreg.scid  }
0x8b: {  	s0 =	sand.u32 $0x1, s1  }
0x8c: {  	s16 =	sshll.u32 s0, $0xA;
	s2 =	sadd.s32 s3, s2  }
0x8d: {  	s2 =	sadd.s32 s2, s16  }
0x8e: {  	[smem:$0x3FC2] =	sst s2  }
0x8f: {  	_ = 	snop  }
0x90: {  	(tm) =	ssettm $0x1  }
0x91: {  	s17 =	sld [smem:$0x3FFB];
	_ =	sdelay $0x3  }
0x92: {  	_ =	strace s17  }
0x93: {  	s2 =	sld [smem:$0x3FFC];
	_ =	sdelay $0x3  }
0x94: {  	_ =	strace s2  }
0x95: {  	s2 =	sld [smem:$0x3FFD];
	_ =	sdelay $0x3  }
0x96: {  	_ =	strace s2  }
0x97: {  	_ =	strace $0x8FFFFFFF  }
0x98: {  	s18 =	sld [smem:$0x3FDB];
	_ =	sdelay $0x1  }
0x99: {  	s19 =	simm.s32 $_scs_section_size  }
0x9a: {  	s4 =	simm.s32 $_size__tile_overlayer_lowered;
	s5 =	simm.s32 $_tile_overlayer_lowered  }
0x9b: {  	s22 =	simm.s32 $0x1BFF;
	s21 =	sshll.u32 s5, $0x1;
	s2 =	sadd.s32 s19, s18  }
0x9c: {  	s6 =	simm.s32 $0x0;
	s20 =	sshll.u32 s4, $0x1;
	s4 =	sadd.s32 s21, s2  }
0x9d: {  	[timem:s6], [sflag:s22] =	dma.local [hbm:s4], s20  }
0x9e: {  	_ =	swait.ge [sflag:s22], s20  }
0x9f: {  	s3 =	ssub.s32 $0x0, s20;
	[sflag:s22] =	ssyncset.done $0x0  }
0xa0: {  	[sflag:s22] =	ssyncadd.s32 s3;
	_ =	sdelay $0x1  }
0xa1: {  	s23 =	simm.s32 $0x1B8B  }
0xa2: {  	_ =	swait.ge [sflag:s23], $0x1  }
0xa3: {  	[sflag:s23] =	ssyncset.done $0x0  }
0xa4: {  	s25 =	simm.s32 $0x1B8E;
	s24 =	sld [smem:$0x3FFE];
	[sflag:s23] =	ssyncadd.s32 $0xFFFFFFFF  }
0xa5: {  	s26 =	simm.s32 $execute0_lowered;
	[smem:$0x3FD2] =	sst s25  }
0xa6: {  	s4 =	sshll.u32 s26, $0x1;
	_ =	strace $0x80000046;
	[dreg:$0x1] =	wrdreg $0xFFFFFFFF  }
0xa7: {  	s28 =	simm.s32 $_size_execute0_lowered;
	s2 =	sadd.s32 s2, s4;
	[dreg:$0x0] =	wrdreg $0x0  }
0xa8: {  	s4 =	sshll.u32 s28, $0x1;
	[dreg:$0x2] =	wrdreg s2  }
0xa9: {  	[dreg:$0x3] =	wrdreg s4  }
0xaa: {  	[dreg:$0x4] =	wrdreg $0xC0  }
0xab: {  	_ =	task [dreg:s6], $0x5FFFF  }
0xac: {  	[dreg:$0x1] =	wrdreg $0xFFFFFFFF  }
0xad: {  	[dreg:$0x0] =	wrdreg $0x60  }
0xae: {  	[dreg:$0x2] =	wrdreg s24  }
0xaf: {  	[dreg:$0x3] =	wrdreg $0x53200  }
0xb0: {  	[dreg:$0x4] =	wrdreg $0x9  }
0xb1: {  	_ =	task.clear_ibuf [dreg:s6], $0x5FFFF;
	_ =	strace $0x90000046  }
0xb2: {  	s29 =	simm.s32 $0x9;
	_ =	strace $0x80000048  }
0xb3: {  	_ =	swait.ge [sflag:s29], $0x1  }
0xb4: {  	[sflag:s29] =	ssyncadd.s32 $0xFFFFFFFF  }
0xb5: {  	_ =	strace $0x90000048  }
0xb6: {  	_ =	sfence  }
0xb7: {  	s30 =	sld [smem:$0x0];
	_ =	sdelay $0x2  }
0xb8: {  	s31 =	sshll.u32 s1, $0xD;
	s1 =	sshrl.u32 s1, $0x2  }
0xb9: {  	s3 =	sand.u32 $0x4000, s31;
	s1 =	sadd.s32 s1, s30  }
0xba: {  	s0 =	sor.u32 s3, s0;
	s1 =	sshll.u32 s1, $0x11  }
0xbb: {  	s0 =	sor.u32 s1, s0  }
0xbc: {  	s0 =	sadd.s32 $0x8F2B, s0  }
0xbd: {  	[sflag:s0] =	ssyncadd.remote.s32 $0x1  }
0xbe: {  	_ =	sfence.sel $0xFFFF  }
0xbf: {  	[dreg:$0x0] =	wrdreg $0xFFFFFFFF;
	(pc) =	sbr.abs _section_cstart, $3  }
0xc0: {  	[dreg:$0x1] =	wrdreg $0xFFFFFFFF  }
0xc1: {  	_ =	task.clear_ibuf [dreg:s6], $0x2FFFF;
	_ =	strace $0x9FFFFFFF  }
0xc2: {  	(tm) =	ssettm $0x7FFFFFFF  }
0xc3: {  	_ =	shalt  }
tec
execute0_lowered:
.L_overlay_start_1:
0x0: {  	(tag) =	ssettag $0x1  }
0x1: {  	s0 =	srdreg.scid;
	s7 =	rddreg [dreg:$0x0]  }
0x2: {  	s2 =	rddreg [dreg:$0x1];
	s1 =	stileid.u32;
	s3 =	simm.s32 $0x0  }
0x3: {  	s17 =	simm.s32 $0x50;
	s5 =	sand.u32 $0x1, s0;
	s0 =	rddreg [dreg:$0x2]  }
0x4: {  	s18 =	simm.s32 $0x4E20;
	s19 =	simm.s32 $0x0;
	[smem:$0x7FF] =	sst s3  }
0x5: {  	s9 =	smul.u32 $0x2700, s1;
	s11 =	sadd.s32 $0x1AC00, s7;
	s31 =	sshll.u32 s1, $0x6  }
0x6: {  	s15 =	sadd.s32 $0x27000, s2;
	p0 =	sne.s32 s1, $0xF;
	s4 =	sshll.u32 s5, $0x4  }
0x7: {  	_ =	strace $0x80000047;
	s8 =	ssub.s32 $0x2, s5;
	s14 =	smul.u32 $0x27100, s5  }
0x8: {  	s15 =	sshrl.u32 @!p0 s15, $0x3;
	s4 =	sor.u32 s1, s4;
	s29 =	sshrl.u32 s8, $0x1  }
0x9: {  	s13 =	sadd.s32 s9, s2;
	s30 =	sshrl.u32 s9, $0x3;
	s6 =	smul.u32 $0x4E2, s4  }
0xa: {  	s4 =	sadd.s32 $0x15C00, s7;
	s12 =	ssub.s32 s8, s29;
	s9 =	sadd.s32 s9, s14  }
0xb: {  	s14 =	sshrl.u32 s14, $0x3;
	s13 =	sshrl.u32 s13, $0x3;
	s5 =	sadd.s32 s4, s30  }
0xc: {  	s16 =	sshrl.u32 s9, $0x3;
	s14 =	sadd.s32 s11, s14;
	s12 =	smax.u32 s12, $0x1  }
0xd: {  	s10 =	sadd.s32 s6, s7;
	s6 =	sor.u32 $0x1C01, s31;
	s7 =	sadd.s32 $0x1AA00, s7  }
0xe: {  	s8 =	sadd.s32 $0xBE00, s10;
	s9 =	sadd.s32 $0x2000, s10;
	s10 =	sadd.s32 s11, s16  }
0xf: {  	s11 =	sadd.s32 $0x4E00, s14;
	s14 =	simm.s32 $0x1;
	s16 =	simm.s32 $0x2710  }
.LBB2_1:
0x10: {  	[spmem:s13], [sflag:s6] =	dma.local [hbm:s5], $0x4E0  }
0x11: {  	_ =	swait.ge [sflag:s14], $0x4E0  }
0x12: {  	[sflag:s14] =	ssyncset.done $0x0  }
0x13: {  	s20 =	simm.s32 @!p0 $0x1;
	[sflag:s14] =	ssyncadd.s32 $0xFFFFFB20  }
0x14: {  	[spmem:s15], [sflag:s6] =	dma.local @!p0 [hbm:s7], $0x20  }
0x15: {  	_ =	swait.ge @!p0 [sflag:s20], $0x20  }
0x16: {  	[sflag:s20] =	ssyncset.done @!p0 $0x0  }
0x17: {  	[sflag:s20] =	ssyncadd.s32 @!p0 $0xFFFFFFE0  }
0x18: {  	[tilespmem:s3], [sflag:$0x1] =	stream.linear.gather [hbm4b:s8+s3], $0x2710, $0x38;
	[tilespmem:$0x7A30] =	vst v63  }
0x19: {  	_ =	swait.ge [sflag:s14], $0x2710  }
0x1a: {  	[sflag:s14] =	ssyncset.done $0x0  }
0x1b: {  	[sflag:s14] =	ssyncadd.s32 $0xFFFFD8F0  }
0x1c: {  	[tilespmem:s16], [sflag:$0x1] =	stream.linear.gather [hbm4b:s9+s3], $0x2710, $0x38;
	[tilespmem:$0x7A30] =	vst v63  }
0x1d: {  	_ =	swait.ge [sflag:s14], $0x2710  }
0x1e: {  	[sflag:s14] =	ssyncset.done $0x0  }
0x1f: {  	[sflag:s14] =	ssyncadd.s32 $0xFFFFD8F0  }
0x20: {  	s30 =	simm.s32 $0x0;
	[bflag:$0x0] =	sbarrier.arrive $0xFFFF  }
0x21: {  	[tilespmem:s18], [sflag:$0x1] =	stream.indirect.gather [hbm4b:s4+s17], $0x10, s30, s17, $0xb8;
	[tilespmem:$0x7A30] =	vst v63  }
0x22: {  	_ =	swait.ge [sflag:s14], $0x500  }
0x23: {  	[sflag:s14] =	ssyncset.done $0x0  }
0x24: {  	s31 =	simm.s32 $0x2710;
	[sflag:s14] =	ssyncadd.s32 $0xFFFFFB00  }
0x25: {  	[spmem:s2] =	stream.indirect.scatter.add.f32 [tilespmem:s18], [sflag:$0x1], $0x10, s31, s17, $0xb8;
	[tilespmem:$0x7A30] =	vst v63  }
0x26: {  	_ =	swait.ge [sflag:s14], $0x500  }
0x27: {  	s21 =	simm.s32 $0x280;
	s20 =	simm.s32 $0x140;
	[sflag:s14] =	ssyncset.done $0x0  }
.LBB2_2:
0x28: {  	s22 =	sshra.s32 s20, $0x2  }
0x29: {  	[sflag:s14] =	ssyncadd.s32 $0xFFFFFB00;
	s20 =	smov.u32 s21;
	s23 =	sadd.s32 $0x140, s21  }
0x2a: {  	[tilespmem:s18], [sflag:$0x1] =	stream.indirect.gather [hbm4b:s4+s17], $0x10, s22, s17, $0xb8;
	[tilespmem:$0x7A30] =	vst v63  }
0x2b: {  	p1 =	sne.s32 s21, $0x9B00;
	_ =	swait.ge [sflag:s14], $0x500  }
.Ltmp0:
0x2c: {  	[sflag:s14] =	ssyncset.done $0x0;
	(pc) =	sbr.rel @p1 .LBB2_2-.Ltmp0, $4  }
0x2d: {  	s21 =	sadd.s32 $0x2710, s22;
	[sflag:s14] =	ssyncadd.s32 $0xFFFFFB00  }
0x2e: {  	[spmem:s2] =	stream.indirect.scatter.add.f32 [tilespmem:s18], [sflag:$0x1], $0x10, s21, s17, $0xb8;
	[tilespmem:$0x7A30] =	vst v63  }
0x2f: {  	_ =	swait.ge [sflag:s14], $0x500  }
0x30: {  	s21 =	smov.u32 s23;
	[sflag:s14] =	ssyncset.done $0x0  }
0x31: {  	s20 =	sshra.s32 s20, $0x2;
	[sflag:s14] =	ssyncadd.s32 $0xFFFFFB00  }
0x32: {  	[tilespmem:s18], [sflag:$0x1] =	stream.indirect.gather [hbm4b:s4+s17], $0x10, s20, s17, $0xb8;
	[tilespmem:$0x7A30] =	vst v63  }
0x33: {  	_ =	swait.ge [sflag:s14], $0x500  }
0x34: {  	[sflag:s14] =	ssyncset.done $0x0  }
0x35: {  	s20 =	sadd.s32 $0x2710, s20;
	[sflag:s14] =	ssyncadd.s32 $0xFFFFFB00  }
0x36: {  	[spmem:s2] =	stream.indirect.scatter.add.f32 [tilespmem:s18], [sflag:$0x1], $0x10, s20, s17, $0xb8;
	[tilespmem:$0x7A30] =	vst v63  }
0x37: {  	_ =	swait.ge [sflag:s14], $0x500  }
0x38: {  	[sflag:s14] =	ssyncset.done $0x0  }
0x39: {  	[sflag:s14] =	ssyncadd.s32 $0xFFFFFB00  }
0x3a: {  	[bflag:$0x0] =	sbarrier.arrive $0xFFFF  }
0x3b: {  	[hbm:s10], [sflag:s6] =	dma.local [spmem:s13], $0x4E0  }
0x3c: {  	s19 =	sadd.s32 $0x1, s19;
	_ =	swait.ge [sflag:s14], $0x4E0  }
0x3d: {  	p1 =	sne.s32 s19, s12;
	[sflag:s14] =	ssyncset.done $0x0  }
.Ltmp1:
0x3e: {  	s20 =	simm.s32 @!p0 $0x1;
	[sflag:s14] =	ssyncadd.s32 $0xFFFFFB20;
	(pc) =	sbr.rel @p1 .LBB2_1-.Ltmp1, $4  }
0x3f: {  	[hbm:s11], [sflag:s6] =	dma.local @!p0 [spmem:s15], $0x20  }
0x40: {  	_ =	swait.ge @!p0 [sflag:s20], $0x20  }
0x41: {  	[sflag:s20] =	ssyncset.done @!p0 $0x0  }
0x42: {  	[sflag:s20] =	ssyncadd.s32 @!p0 $0xFFFFFFE0  }
0x43: {  	_ =	sfence.sel $0x180000  }
0x44: {  	[bflag:$0x0] =	sbarrier.arrive $0xFFFF  }
0x45: {  	p0 =	sne.s32 s1, $0x0;
	_ =	strace $0x90000047  }
0x46: {  	s0 =	sadd.s32 @!p0 $0x100000, s0;
	[bflag:$0x2] =	sbarrier.arrive $0xFFFF  }
0x47: {  	[sflag:s0] =	ssyncadd.tile.s32 @!p0 $0x1;
	_ =	shalt  }
.Lfunc_end2:
_tile_overlayer_lowered:
.L_overlay_start_2:
0x48: {  	(tag) =	ssettag $0x2  }
0x49: {  	s0 =	rddreg [dreg:$0x0];
	s2 =	stileid.u32  }
0x4a: {  	s1 =	rddreg [dreg:$0x1];
	p0 =	sne.s32 s2, $0x0  }
0x4b: {  	s3 =	rddreg [dreg:$0x2];
	[bflag:$0x3] =	sbarrier.arrive $0xFFFF;
	s2 =	simm.s32 @!p0 $0x1C01  }
0x4c: {  	[timem:s3], [sflag:s2] =	dma.local @!p0 [hbm:s0], s1  }
0x4d: {  	s0 =	simm.s32 @!p0 $0x1  }
0x4e: {  	_ =	swait.ge @!p0 [sflag:s0], s1  }
0x4f: {  	s1 =	ssub.s32 @!p0 $0x0, s1;
	[sflag:s0] =	ssyncset.done @!p0 $0x0  }
0x50: {  	[sflag:s0] =	ssyncadd.s32 @!p0 s1  }
0x51: {  	[bflag:$0x3] =	sbarrier.arrive $0xFFFF  }
0x52: {  	_ =	shalt  }

</sc_bundles>
